<compile_context>
chip_gen: v7x
topology: tpu7x:2x2x1
jax: 0.10.2.dev20260603
libtpu: 0.0.44.dev20260713+nightly
codegen_flags: <defaults>
</compile_context>

<pallas_src>
import functools

import jax
import jax.numpy as jnp
from jax import lax
from jax.experimental import pallas as pl
from jax.experimental.pallas import tpu as pltpu
from jax.experimental.pallas import tpu_sc as plsc

NC = 2
NS = 16
CH = 128
NB = 2

N = 10000
E = 160000
N_ACC = 10240
RPT = N_ACC // NS
E_PAD = 163840
CHUNKS1 = E_PAD // (NS * CH)
CHUNKS2 = E_PAD // (NC * NS * CH)

BN = 2000
GRID = N // BN


def _sc_mesh():
    return plsc.VectorSubcoreMesh(core_axis_name="c", subcore_axis_name="s")



def _deg_body(dst_hbm, zd_hbm, out_hbm, didx_v, ones_v, dacc_sh):
    c = lax.axis_index("c")
    s = lax.axis_index("s")
    for i in range(CH // 16):
        ones_v[pl.ds(i * 16, 16)] = jnp.ones((16,), jnp.float32)
    pltpu.sync_copy(zd_hbm.at[pl.ds(s * RPT, RPT)], dacc_sh.at[pl.ds(s * RPT, RPT)])
    base = (c * NS + s) * (CHUNKS2 * CH)
    pltpu.sync_copy(dst_hbm.at[pl.ds(base, CHUNKS2 * CH)], didx_v)
    plsc.subcore_barrier()

    def body(k, carry):
        pltpu.sync_copy(ones_v, dacc_sh.at[didx_v.at[pl.ds(k * CH, CH)]],
                        add=True)
        return carry

    lax.fori_loop(0, CHUNKS2, body, 0)
    plsc.subcore_barrier()
    pltpu.sync_copy(dacc_sh.at[pl.ds(s * RPT, RPT)], out_hbm.at[c, pl.ds(s * RPT, RPT)])


def _deg_call(dst_p, zerosd):
    f = pl.kernel(
        _deg_body,
        out_type=jax.ShapeDtypeStruct((NC, N_ACC), jnp.float32),
        mesh=_sc_mesh(),
        scratch_types=[
            pltpu.VMEM((CHUNKS2 * CH,), jnp.int32),
            pltpu.VMEM((CH,), jnp.float32),
            pltpu.VMEM_SHARED((N_ACC,), jnp.float32),
        ],
    )
    return f(dst_p, zerosd)



def _agg_body(feat_split, src_hbm, dst_hbm, tab_hbm, z_hbm, out_hbm,
              gidx_v, didx_v, rows_v, sems, dacc_sh):
    c = lax.axis_index("c")
    s = lax.axis_index("s")
    pltpu.sync_copy(z_hbm.at[pl.ds(s * RPT, RPT)], dacc_sh.at[pl.ds(s * RPT, RPT)])
    if feat_split:
        base = s * (CHUNKS1 * CH)
        nchunks = CHUNKS1
        src_row = c
        nphase = 2
    else:
        base = (c * NS + s) * (CHUNKS2 * CH)
        nchunks = CHUNKS2
        nphase = 1
        src_row = 0
    pch = nchunks // nphase

    def start(k, b):
        pltpu.async_copy(tab_hbm.at[gidx_v.at[pl.ds(k * CH, CH)]],
                         rows_v[b], sems[b])

    for p in range(nphase):
        off = base + p * (pch * CH)
        pltpu.sync_copy(src_hbm.at[src_row, pl.ds(off, pch * CH)], gidx_v)
        pltpu.sync_copy(dst_hbm.at[pl.ds(off, pch * CH)], didx_v)
        if p == 0:
            plsc.subcore_barrier()

        for j in range(NB - 1):
            start(j, j)

        def body(i, carry):
            for j in range(NB):
                k = NB * i + j

                @pl.when(k + NB - 1 < pch)
                def _():
                    start(k + NB - 1, (j + NB - 1) % NB)

                pltpu.make_async_copy(tab_hbm.at[gidx_v.at[pl.ds(k * CH, CH)]],
                                      rows_v[j], sems[j]).wait()
                pltpu.sync_copy(rows_v[j],
                                dacc_sh.at[didx_v.at[pl.ds(k * CH, CH)]],
                                add=True)
            return carry

        lax.fori_loop(0, pch // NB, body, 0)

    plsc.subcore_barrier()
    pltpu.sync_copy(dacc_sh.at[pl.ds(s * RPT, RPT)],
                    out_hbm.at[c, pl.ds(s * RPT, RPT)])


def _agg_call(src2, dst_p, table, zeros, feat_split):
    npre = (CHUNKS1 // 2 if feat_split else CHUNKS2) * CH
    f = pl.kernel(
        functools.partial(_agg_body, feat_split),
        out_type=jax.ShapeDtypeStruct((NC, N_ACC, 128), jnp.float32),
        mesh=_sc_mesh(),
        scratch_types=[
            pltpu.VMEM((npre,), jnp.int32),
            pltpu.VMEM((npre,), jnp.int32),
            [pltpu.VMEM((CH, 128), jnp.float32) for _ in range(NB)],
            [pltpu.SemaphoreType.DMA for _ in range(NB)],
            pltpu.VMEM_SHARED((N_ACC, 128), jnp.float32),
        ],
    )
    return f(src2, dst_p, table, zeros)



def _b_body(x_ref, w_ref, dg_ref, hs_ref, dis_ref):
    deg = dg_ref[:, 0:1] + dg_ref[:, 1:2] + 1.0
    dis = lax.rsqrt(deg)
    h = jnp.dot(x_ref[...].astype(jnp.bfloat16), w_ref[...],
                preferred_element_type=jnp.float32)
    hs = h * dis
    hs_ref[0] = hs[:, :128]
    hs_ref[1] = hs[:, 128:]
    dis_ref[...] = dis


def _b_call(x, W1, degt):
    din = x.shape[1]
    return pl.pallas_call(
        _b_body,
        grid=(GRID,),
        in_specs=[
            pl.BlockSpec((BN, din), lambda i: (i, 0)),
            pl.BlockSpec((din, 256), lambda i: (0, 0)),
            pl.BlockSpec((BN, 2), lambda i: (i, 0)),
        ],
        out_specs=[
            pl.BlockSpec((2, BN, 128), lambda i: (0, i, 0)),
            pl.BlockSpec((BN, 1), lambda i: (i, 0)),
        ],
        out_shape=[
            jax.ShapeDtypeStruct((2, N, 128), jnp.float32),
            jax.ShapeDtypeStruct((N, 1), jnp.float32),
        ],
    )(x, W1, degt)



def _d_body(aa_ref, ab_ref, ha_ref, hb_ref, dis_ref, b1_ref, w2_ref, out_ref):
    t = jnp.concatenate([aa_ref[0] + ha_ref[0], ab_ref[0] + hb_ref[0]], axis=1)
    z = t * dis_ref[...] + b1_ref[...]
    r = jnp.maximum(z, 0.0)
    h2 = jnp.dot(r.astype(jnp.bfloat16), w2_ref[...],
                 preferred_element_type=jnp.float32)
    hs2 = h2 * dis_ref[...]
    out_ref[...] = jnp.concatenate(
        [hs2, jnp.zeros((hs2.shape[0], 128 - hs2.shape[1]), jnp.float32)], axis=1)


def _d_call(acc1, hs2n, dis, b1, W2):
    dout = W2.shape[1]
    return pl.pallas_call(
        _d_body,
        grid=(GRID,),
        in_specs=[
            pl.BlockSpec((1, BN, 128), lambda i: (0, i, 0)),
            pl.BlockSpec((1, BN, 128), lambda i: (1, i, 0)),
            pl.BlockSpec((1, BN, 128), lambda i: (0, i, 0)),
            pl.BlockSpec((1, BN, 128), lambda i: (1, i, 0)),
            pl.BlockSpec((BN, 1), lambda i: (i, 0)),
            pl.BlockSpec((1, 256), lambda i: (0, 0)),
            pl.BlockSpec((256, dout), lambda i: (0, 0)),
        ],
        out_specs=pl.BlockSpec((BN, 128), lambda i: (i, 0)),
        out_shape=jax.ShapeDtypeStruct((N, 128), jnp.float32),
    )(acc1, acc1, hs2n, hs2n, dis, b1, W2)



def _f_body(aa_ref, ab_ref, hs_ref, dis_ref, b2_ref, out_ref):
    dout = b2_ref.shape[1]
    z = ((aa_ref[0, :, :dout] + ab_ref[0, :, :dout] + hs_ref[:, :dout])
         * dis_ref[...] + b2_ref[...])
    m = jnp.max(z, axis=1, keepdims=True)
    ez = jnp.exp(z - m)
    lse = jnp.log(jnp.sum(ez, axis=1, keepdims=True))
    out_ref[...] = z - m - lse


def _f_call(acc2, hs2, dis, b2):
    dout = b2.shape[1]
    return pl.pallas_call(
        _f_body,
        grid=(GRID,),
        in_specs=[
            pl.BlockSpec((1, BN, 128), lambda i: (0, i, 0)),
            pl.BlockSpec((1, BN, 128), lambda i: (1, i, 0)),
            pl.BlockSpec((BN, 128), lambda i: (i, 0)),
            pl.BlockSpec((BN, 1), lambda i: (i, 0)),
            pl.BlockSpec((1, dout), lambda i: (0, 0)),
        ],
        out_specs=pl.BlockSpec((BN, dout), lambda i: (i, 0)),
        out_shape=jax.ShapeDtypeStruct((N, dout), jnp.float32),
    )(acc2, acc2, hs2, dis, b2)



def kernel(x, edge_index, W1, b1, W2, b2):
    src = edge_index[0]
    dst = edge_index[1]
    pad = E_PAD - E
    src_p = jnp.concatenate([src, jnp.arange(pad, dtype=jnp.int32) % N])
    dump = N + jnp.arange(pad, dtype=jnp.int32) % (N_ACC - N)
    dst_p = jnp.concatenate([dst, dump])
    src2 = jnp.stack([src_p, src_p + N])

    zerosd = jnp.zeros((N_ACC,), jnp.float32)
    zeros1 = jnp.zeros((N_ACC, 128), jnp.float32)

    W1 = W1.astype(jnp.bfloat16)
    W2 = W2.astype(jnp.bfloat16)

    degout = _deg_call(dst_p, zerosd)
    degt = degout.T

    hs2n, dis = _b_call(x, W1, degt)
    tab1 = hs2n.reshape(2 * N, 128)
    acc1 = _agg_call(src2, dst_p, tab1, zeros1, True)

    hs2 = _d_call(acc1, hs2n, dis, b1.reshape(1, -1), W2)
    acc2 = _agg_call(src2, dst_p, hs2, zeros1, False)

    return _f_call(acc2, hs2, dis, b2.reshape(1, -1))

# --- scband reference (transcript-rebuilt; emitter-appended) ---
"""Pipeline reference for scband-gcn-45268955300144 (READ-ONLY COPY).

The authoritative reference and input builder live on the scoring server;
editing this copy changes nothing except your own understanding.
"""

import jax, jax.numpy as jnp
import numpy as np

N = 10000
E = 160000
DIN = 256
DH = 256
DOUT = 64


def setup_inputs(seed: int = 0) -> dict:
    key = jax.random.key(seed)
    k1, k2, k3, k4 = jax.random.split(key, 4)
    x = jax.random.normal(k1, (N, DIN), dtype=jnp.float32)
    edge_index = jax.random.randint(k2, (2, E), 0, N, dtype=jnp.int32)
    W1 = jax.random.normal(k3, (DIN, DH), dtype=jnp.float32) * (1.0 / np.sqrt(DIN))
    b1 = jnp.zeros((DH,), dtype=jnp.float32)
    W2 = jax.random.normal(k4, (DH, DOUT), dtype=jnp.float32) * (1.0 / np.sqrt(DH))
    b2 = jnp.zeros((DOUT,), dtype=jnp.float32)
    return {"x": x, "edge_index": edge_index, "W1": W1, "b1": b1, "W2": W2, "b2": b2}


def _gcn_conv(x, src, dst, W, b):
    # PyG GCNConv with add_self_loops=True, symmetric normalization.
    # Self-loops were appended to src/dst by the caller.
    h = x @ W
    deg = jnp.zeros((N,), dtype=x.dtype).at[dst].add(1.0)
    deg_inv_sqrt = jnp.where(deg > 0, jax.lax.rsqrt(deg), 0.0)
    norm = deg_inv_sqrt[src] * deg_inv_sqrt[dst]
    msg = h[src] * norm[:, None]
    out = jnp.zeros((N, h.shape[1]), dtype=x.dtype).at[dst].add(msg)
    return out + b


def reference(x, edge_index, W1, b1, W2, b2):
    loop = jnp.arange(N, dtype=edge_index.dtype)
    src = jnp.concatenate([edge_index[0], loop])
    dst = jnp.concatenate([edge_index[1], loop])
    h = _gcn_conv(x, src, dst, W1, b1)
    h = jax.nn.relu(h)
    h = _gcn_conv(h, src, dst, W2, b2)
    return jax.nn.log_softmax(h, axis=1)

if __name__ == "__main__":
    import jax
    _d = setup_inputs()
    print(jax.jit(kernel)(*tuple(_d.values())))

</pallas_src>

<mosaic_0001>
#map = affine_map<(d0, d1) -> (0, 0)>
#map1 = affine_map<(d0, d1) -> (0)>
#map2 = affine_map<(d0, d1) -> (0, 0, 0)>
module attributes {stable_mosaic.version = 14 : i64} {
  func.func @_agg_body(%arg0: i32, %arg1: i32, %arg2: memref<2x163840xi32, #tpu.memory_space<hbm>>, %arg3: memref<163840xi32, #tpu.memory_space<hbm>>, %arg4: memref<10000x128xf32, #tpu.memory_space<hbm>>, %arg5: memref<10240x128xf32, #tpu.memory_space<hbm>>, %arg6: memref<2x10240x128xf32, #tpu.memory_space<hbm>>, %arg7: memref<5120xi32, #tpu.memory_space<vmem>>, %arg8: memref<5120xi32, #tpu.memory_space<vmem>>, %arg9: memref<128x128xf32, #tpu.memory_space<vmem>>, %arg10: memref<128x128xf32, #tpu.memory_space<vmem>>, %arg11: memref<!tpu.dma_semaphore, #tpu.memory_space<semaphore_mem>>, %arg12: memref<!tpu.dma_semaphore, #tpu.memory_space<semaphore_mem>>, %arg13: memref<10240x128xf32, #tpu.memory_space<vmem_shared>>) attributes {dimension_semantics = [#tpu.dimension_semantics<core_parallel>, #tpu.dimension_semantics<subcore_parallel>], iteration_bounds = array<i64: 2, 16>, scalar_prefetch = 0 : i64, scratch_operands = 7 : i64, tpu.core_type = #tpu.core_type<sc_vector_subcore>, window_params = [{transform_indices = #map}, {transform_indices = #map1}, {transform_indices = #map}, {transform_indices = #map}, {transform_indices = #map2}]} {
    %mul3A = arith.constant 640 : i32
    %mul3A_0 = arith.muli %arg1, %mul3A : i32
    %mul3A_1 = arith.constant 640 : i32
    %mul3A_2 = arith.muli %arg1, %mul3A_1 : i32
    "tpu.region"() ({
      %run_scoped3A_23 = tpu.sem_alloc : memref<!tpu.dma_semaphore, #tpu.memory_space<semaphore_mem>>
      %dma_start3A_24 = arith.constant 0 : i32
      %dma_start3A_25 = tpu.memref_slice %arg13[%mul3A_2, %dma_start3A_24] : memref<10240x128xf32, #tpu.memory_space<vmem_shared>> -> memref<640x128xf32, #tpu.memory_space<vmem_shared>>
      %dma_start3A_26 = arith.constant 0 : i32
      %dma_start3A_27 = tpu.memref_slice %arg5[%mul3A_0, %dma_start3A_26] : memref<10240x128xf32, #tpu.memory_space<hbm>> -> memref<640x128xf32, #tpu.memory_space<hbm>>
      tpu.enqueue_dma source(%dma_start3A_27 : memref<640x128xf32, #tpu.memory_space<hbm>>) target(%dma_start3A_25 : memref<640x128xf32, #tpu.memory_space<vmem_shared>>) target_semaphore(%run_scoped3A_23 : memref<!tpu.dma_semaphore, #tpu.memory_space<semaphore_mem>>)
      %dma_wait3A = arith.constant 0 : i32
      %dma_wait3A_28 = tpu.memref_slice %arg13[%mul3A_2, %dma_wait3A] : memref<10240x128xf32, #tpu.memory_space<vmem_shared>> -> memref<640x128xf32, #tpu.memory_space<vmem_shared>>
      %dma_wait3A_29 = arith.constant 0 : i32
      %dma_wait3A_30 = tpu.memref_slice %arg5[%mul3A_0, %dma_wait3A_29] : memref<10240x128xf32, #tpu.memory_space<hbm>> -> memref<640x128xf32, #tpu.memory_space<hbm>>
      tpu.wait_dma2 semaphore(%run_scoped3A_23 : memref<!tpu.dma_semaphore, #tpu.memory_space<semaphore_mem>>) src(%dma_wait3A_30 : memref<640x128xf32, #tpu.memory_space<hbm>>) dst(%dma_wait3A_28 : memref<640x128xf32, #tpu.memory_space<vmem_shared>>)
      tpu.yield
    }) : () -> ()
    %mul3A_3 = arith.constant 16 : i32
    %mul3A_4 = arith.muli %arg0, %mul3A_3 : i32
    %add3A = arith.addi %mul3A_4, %arg1 : i32
    %mul3A_5 = arith.constant 5120 : i32
    %mul3A_6 = arith.muli %add3A, %mul3A_5 : i32
    %add3A_7 = arith.constant 0 : i32
    %add3A_8 = arith.addi %mul3A_6, %add3A_7 : i32
    %run_scoped3A = arith.constant 0 : i32
    "tpu.region"() ({
      %run_scoped3A_23 = tpu.sem_alloc : memref<!tpu.dma_semaphore, #tpu.memory_space<semaphore_mem>>
      %dma_start3A_24 = tpu.memref_slice %arg2[%run_scoped3A, %add3A_8] : memref<2x163840xi32, #tpu.memory_space<hbm>> -> memref<1x5120xi32, #tpu.memory_space<hbm>>
      %dma_start3A_25 = tpu.memref_squeeze %dma_start3A_24 : memref<1x5120xi32, #tpu.memory_space<hbm>> -> memref<5120xi32, #tpu.memory_space<hbm>>
      %dma_start3A_26 = tpu.memref_slice %arg2[%run_scoped3A, %add3A_8] : memref<2x163840xi32, #tpu.memory_space<hbm>> -> memref<1x5120xi32, #tpu.memory_space<hbm>>
      %dma_start3A_27 = tpu.memref_squeeze %dma_start3A_26 : memref<1x5120xi32, #tpu.memory_space<hbm>> -> memref<5120xi32, #tpu.memory_space<hbm>>
      tpu.enqueue_dma source(%dma_start3A_27 : memref<5120xi32, #tpu.memory_space<hbm>>) target(%arg7 : memref<5120xi32, #tpu.memory_space<vmem>>) target_semaphore(%run_scoped3A_23 : memref<!tpu.dma_semaphore, #tpu.memory_space<semaphore_mem>>)
      %dma_wait3A = tpu.memref_slice %arg2[%run_scoped3A, %add3A_8] : memref<2x163840xi32, #tpu.memory_space<hbm>> -> memref<1x5120xi32, #tpu.memory_space<hbm>>
      %dma_wait3A_28 = tpu.memref_squeeze %dma_wait3A : memref<1x5120xi32, #tpu.memory_space<hbm>> -> memref<5120xi32, #tpu.memory_space<hbm>>
      %dma_wait3A_29 = tpu.memref_slice %arg2[%run_scoped3A, %add3A_8] : memref<2x163840xi32, #tpu.memory_space<hbm>> -> memref<1x5120xi32, #tpu.memory_space<hbm>>
      %dma_wait3A_30 = tpu.memref_squeeze %dma_wait3A_29 : memref<1x5120xi32, #tpu.memory_space<hbm>> -> memref<5120xi32, #tpu.memory_space<hbm>>
      tpu.wait_dma2 semaphore(%run_scoped3A_23 : memref<!tpu.dma_semaphore, #tpu.memory_space<semaphore_mem>>) src(%dma_wait3A_30 : memref<5120xi32, #tpu.memory_space<hbm>>) dst(%arg7 : memref<5120xi32, #tpu.memory_space<vmem>>)
      tpu.yield
    }) : () -> ()
    "tpu.region"() ({
      %run_scoped3A_23 = tpu.sem_alloc : memref<!tpu.dma_semaphore, #tpu.memory_space<semaphore_mem>>
      %dma_start3A_24 = tpu.memref_slice %arg3[%add3A_8] : memref<163840xi32, #tpu.memory_space<hbm>> -> memref<5120xi32, #tpu.memory_space<hbm>>
      %dma_start3A_25 = tpu.memref_slice %arg3[%add3A_8] : memref<163840xi32, #tpu.memory_space<hbm>> -> memref<5120xi32, #tpu.memory_space<hbm>>
      tpu.enqueue_dma source(%dma_start3A_25 : memref<5120xi32, #tpu.memory_space<hbm>>) target(%arg8 : memref<5120xi32, #tpu.memory_space<vmem>>) target_semaphore(%run_scoped3A_23 : memref<!tpu.dma_semaphore, #tpu.memory_space<semaphore_mem>>)
      %dma_wait3A = tpu.memref_slice %arg3[%add3A_8] : memref<163840xi32, #tpu.memory_space<hbm>> -> memref<5120xi32, #tpu.memory_space<hbm>>
      %dma_wait3A_26 = tpu.memref_slice %arg3[%add3A_8] : memref<163840xi32, #tpu.memory_space<hbm>> -> memref<5120xi32, #tpu.memory_space<hbm>>
      tpu.wait_dma2 semaphore(%run_scoped3A_23 : memref<!tpu.dma_semaphore, #tpu.memory_space<semaphore_mem>>) src(%dma_wait3A_26 : memref<5120xi32, #tpu.memory_space<hbm>>) dst(%arg8 : memref<5120xi32, #tpu.memory_space<vmem>>)
      tpu.yield
    }) : () -> ()
    %barrier3A = arith.constant 0 : index
    tpu.barrier barrier_id(%barrier3A)
    %dma_start3A = arith.constant 0 : i32
    %dma_start3A_9 = tpu.memref_slice %arg7[%dma_start3A] : memref<5120xi32, #tpu.memory_space<vmem>> -> memref<128xi32, #tpu.memory_space<vmem>>
    %dma_start3A_10 = arith.constant 0 : i32
    %dma_start3A_11 = arith.constant 0 : i32
    %dma_start3A_12 = tpu.memref_slice %arg4[%dma_start3A_10, %dma_start3A_11] : memref<10000x128xf32, #tpu.memory_space<hbm>> -> memref<10000x128xf32, #tpu.memory_space<hbm>>
    tpu.enqueue_indirect_dma source(%dma_start3A_12 : memref<10000x128xf32, #tpu.memory_space<hbm>>) target(%arg9 : memref<128x128xf32, #tpu.memory_space<vmem>>) offsets(%dma_start3A_9 : memref<128xi32, #tpu.memory_space<vmem>>) semaphore(%arg11 : memref<!tpu.dma_semaphore, #tpu.memory_space<semaphore_mem>>)
    %scan3A = arith.constant 0 : i32
    %scan3A_13 = arith.constant 0 : i32
    %scan3A_14 = arith.constant 20 : i32
    %scan3A_15 = arith.addi %scan3A_13, %scan3A_14 : i32
    %scan3A_16 = arith.constant 1 : i32
    scf.for %scan3A_23 = %scan3A_13 to %scan3A_15 step %scan3A_16  : i32 {
      %mul3A_24 = arith.constant 2 : i32
      %mul3A_25 = arith.muli %mul3A_24, %scan3A_23 : i32
      %add3A_26 = arith.constant 0 : i32
      %add3A_27 = arith.addi %mul3A_25, %add3A_26 : i32
      %add3A_28 = arith.constant 2 : i32
      %add3A_29 = arith.addi %add3A_27, %add3A_28 : i32
      %sub3A = arith.constant 1 : i32
      %sub3A_30 = arith.subi %add3A_29, %sub3A : i32
      %lt3A = arith.constant 40 : i32
      %lt3A_31 = arith.cmpi slt, %sub3A_30, %lt3A : i32
      %convert_element_type3A = arith.extui %lt3A_31 : i1 to i32
      %cond3A = arith.constant 0 : i32
      %cond3A_32 = arith.cmpi ne, %convert_element_type3A, %cond3A : i32
      scf.if %cond3A_32 {
        %add3A_61 = arith.constant 2 : i32
        %add3A_62 = arith.addi %add3A_27, %add3A_61 : i32
        %sub3A_63 = arith.constant 1 : i32
        %sub3A_64 = arith.subi %add3A_62, %sub3A_63 : i32
        %mul3A_65 = arith.constant 128 : i32
        %mul3A_66 = arith.muli %sub3A_64, %mul3A_65 : i32
        %dma_start3A_67 = tpu.memref_slice %arg7[%mul3A_66] : memref<5120xi32, #tpu.memory_space<vmem>> -> memref<128xi32, #tpu.memory_space<vmem>>
        %dma_start3A_68 = arith.constant 0 : i32
        %dma_start3A_69 = arith.constant 0 : i32
        %dma_start3A_70 = tpu.memref_slice %arg4[%dma_start3A_68, %dma_start3A_69] : memref<10000x128xf32, #tpu.memory_space<hbm>> -> memref<10000x128xf32, #tpu.memory_space<hbm>>
        tpu.enqueue_indirect_dma source(%dma_start3A_70 : memref<10000x128xf32, #tpu.memory_space<hbm>>) target(%arg10 : memref<128x128xf32, #tpu.memory_space<vmem>>) offsets(%dma_start3A_67 : memref<128xi32, #tpu.memory_space<vmem>>) semaphore(%arg12 : memref<!tpu.dma_semaphore, #tpu.memory_space<semaphore_mem>>)
      } else {
      }
      %mul3A_33 = arith.constant 128 : i32
      %mul3A_34 = arith.muli %add3A_27, %mul3A_33 : i32
      %dma_wait3A = tpu.memref_slice %arg7[%mul3A_34] : memref<5120xi32, #tpu.memory_space<vmem>> -> memref<128xi32, #tpu.memory_space<vmem>>
      %dma_wait3A_35 = arith.constant 0 : i32
      %dma_wait3A_36 = arith.constant 0 : i32
      %dma_wait3A_37 = tpu.memref_slice %arg4[%dma_wait3A_35, %dma_wait3A_36] : memref<10000x128xf32, #tpu.memory_space<hbm>> -> memref<10000x128xf32, #tpu.memory_space<hbm>>
      tpu.wait_indirect_dma semaphore(%arg11 : memref<!tpu.dma_semaphore, #tpu.memory_space<semaphore_mem>>) src(%dma_wait3A_37 : memref<10000x128xf32, #tpu.memory_space<hbm>>) dst(%arg9 : memref<128x128xf32, #tpu.memory_space<vmem>>)
      %mul3A_38 = arith.constant 128 : i32
      %mul3A_39 = arith.muli %add3A_27, %mul3A_38 : i32
      "tpu.region"() ({
        %run_scoped3A_61 = tpu.sem_alloc : memref<!tpu.dma_semaphore, #tpu.memory_space<semaphore_mem>>
        %dma_start3A_62 = tpu.memref_slice %arg8[%mul3A_39] : memref<5120xi32, #tpu.memory_space<vmem>> -> memref<128xi32, #tpu.memory_space<vmem>>
        %dma_start3A_63 = arith.constant 0 : i32
        %dma_start3A_64 = arith.constant 0 : i32
        %dma_start3A_65 = tpu.memref_slice %arg13[%dma_start3A_63, %dma_start3A_64] : memref<10240x128xf32, #tpu.memory_space<vmem_shared>> -> memref<10240x128xf32, #tpu.memory_space<vmem_shared>>
        tpu.enqueue_indirect_dma source(%arg9 : memref<128x128xf32, #tpu.memory_space<vmem>>) target(%dma_start3A_65 : memref<10240x128xf32, #tpu.memory_space<vmem_shared>>) offsets(%dma_start3A_62 : memref<128xi32, #tpu.memory_space<vmem>>) semaphore(%run_scoped3A_61 : memref<!tpu.dma_semaphore, #tpu.memory_space<semaphore_mem>>) {add = true}
        %dma_wait3A_66 = tpu.memref_slice %arg8[%mul3A_39] : memref<5120xi32, #tpu.memory_space<vmem>> -> memref<128xi32, #tpu.memory_space<vmem>>
        %dma_wait3A_67 = arith.constant 0 : i32
        %dma_wait3A_68 = arith.constant 0 : i32
        %dma_wait3A_69 = tpu.memref_slice %arg13[%dma_wait3A_67, %dma_wait3A_68] : memref<10240x128xf32, #tpu.memory_space<vmem_shared>> -> memref<10240x128xf32, #tpu.memory_space<vmem_shared>>
        tpu.wait_indirect_dma semaphore(%run_scoped3A_61 : memref<!tpu.dma_semaphore, #tpu.memory_space<semaphore_mem>>) src(%arg9 : memref<128x128xf32, #tpu.memory_space<vmem>>) dst(%dma_wait3A_69 : memref<10240x128xf32, #tpu.memory_space<vmem_shared>>)
        tpu.yield
      }) : () -> ()
      %mul3A_40 = arith.constant 2 : i32
      %mul3A_41 = arith.muli %mul3A_40, %scan3A_23 : i32
      %add3A_42 = arith.constant 1 : i32
      %add3A_43 = arith.addi %mul3A_41, %add3A_42 : i32
      %add3A_44 = arith.constant 2 : i32
      %add3A_45 = arith.addi %add3A_43, %add3A_44 : i32
      %sub3A_46 = arith.constant 1 : i32
      %sub3A_47 = arith.subi %add3A_45, %sub3A_46 : i32
      %lt3A_48 = arith.constant 40 : i32
      %lt3A_49 = arith.cmpi slt, %sub3A_47, %lt3A_48 : i32
      %convert_element_type3A_50 = arith.extui %lt3A_49 : i1 to i32
      %cond3A_51 = arith.constant 0 : i32
      %cond3A_52 = arith.cmpi ne, %convert_element_type3A_50, %cond3A_51 : i32
      scf.if %cond3A_52 {
        %add3A_61 = arith.constant 2 : i32
        %add3A_62 = arith.addi %add3A_43, %add3A_61 : i32
        %sub3A_63 = arith.constant 1 : i32
        %sub3A_64 = arith.subi %add3A_62, %sub3A_63 : i32
        %mul3A_65 = arith.constant 128 : i32
        %mul3A_66 = arith.muli %sub3A_64, %mul3A_65 : i32
        %dma_start3A_67 = tpu.memref_slice %arg7[%mul3A_66] : memref<5120xi32, #tpu.memory_space<vmem>> -> memref<128xi32, #tpu.memory_space<vmem>>
        %dma_start3A_68 = arith.constant 0 : i32
        %dma_start3A_69 = arith.constant 0 : i32
        %dma_start3A_70 = tpu.memref_slice %arg4[%dma_start3A_68, %dma_start3A_69] : memref<10000x128xf32, #tpu.memory_space<hbm>> -> memref<10000x128xf32, #tpu.memory_space<hbm>>
        tpu.enqueue_indirect_dma source(%dma_start3A_70 : memref<10000x128xf32, #tpu.memory_space<hbm>>) target(%arg9 : memref<128x128xf32, #tpu.memory_space<vmem>>) offsets(%dma_start3A_67 : memref<128xi32, #tpu.memory_space<vmem>>) semaphore(%arg11 : memref<!tpu.dma_semaphore, #tpu.memory_space<semaphore_mem>>)
      } else {
      }
      %mul3A_53 = arith.constant 128 : i32
      %mul3A_54 = arith.muli %add3A_43, %mul3A_53 : i32
      %dma_wait3A_55 = tpu.memref_slice %arg7[%mul3A_54] : memref<5120xi32, #tpu.memory_space<vmem>> -> memref<128xi32, #tpu.memory_space<vmem>>
      %dma_wait3A_56 = arith.constant 0 : i32
      %dma_wait3A_57 = arith.constant 0 : i32
      %dma_wait3A_58 = tpu.memref_slice %arg4[%dma_wait3A_56, %dma_wait3A_57] : memref<10000x128xf32, #tpu.memory_space<hbm>> -> memref<10000x128xf32, #tpu.memory_space<hbm>>
      tpu.wait_indirect_dma semaphore(%arg12 : memref<!tpu.dma_semaphore, #tpu.memory_space<semaphore_mem>>) src(%dma_wait3A_58 : memref<10000x128xf32, #tpu.memory_space<hbm>>) dst(%arg10 : memref<128x128xf32, #tpu.memory_space<vmem>>)
      %mul3A_59 = arith.constant 128 : i32
      %mul3A_60 = arith.muli %add3A_43, %mul3A_59 : i32
      "tpu.region"() ({
        %run_scoped3A_61 = tpu.sem_alloc : memref<!tpu.dma_semaphore, #tpu.memory_space<semaphore_mem>>
        %dma_start3A_62 = tpu.memref_slice %arg8[%mul3A_60] : memref<5120xi32, #tpu.memory_space<vmem>> -> memref<128xi32, #tpu.memory_space<vmem>>
        %dma_start3A_63 = arith.constant 0 : i32
        %dma_start3A_64 = arith.constant 0 : i32
        %dma_start3A_65 = tpu.memref_slice %arg13[%dma_start3A_63, %dma_start3A_64] : memref<10240x128xf32, #tpu.memory_space<vmem_shared>> -> memref<10240x128xf32, #tpu.memory_space<vmem_shared>>
        tpu.enqueue_indirect_dma source(%arg10 : memref<128x128xf32, #tpu.memory_space<vmem>>) target(%dma_start3A_65 : memref<10240x128xf32, #tpu.memory_space<vmem_shared>>) offsets(%dma_start3A_62 : memref<128xi32, #tpu.memory_space<vmem>>) semaphore(%run_scoped3A_61 : memref<!tpu.dma_semaphore, #tpu.memory_space<semaphore_mem>>) {add = true}
        %dma_wait3A_66 = tpu.memref_slice %arg8[%mul3A_60] : memref<5120xi32, #tpu.memory_space<vmem>> -> memref<128xi32, #tpu.memory_space<vmem>>
        %dma_wait3A_67 = arith.constant 0 : i32
        %dma_wait3A_68 = arith.constant 0 : i32
        %dma_wait3A_69 = tpu.memref_slice %arg13[%dma_wait3A_67, %dma_wait3A_68] : memref<10240x128xf32, #tpu.memory_space<vmem_shared>> -> memref<10240x128xf32, #tpu.memory_space<vmem_shared>>
        tpu.wait_indirect_dma semaphore(%run_scoped3A_61 : memref<!tpu.dma_semaphore, #tpu.memory_space<semaphore_mem>>) src(%arg10 : memref<128x128xf32, #tpu.memory_space<vmem>>) dst(%dma_wait3A_69 : memref<10240x128xf32, #tpu.memory_space<vmem_shared>>)
        tpu.yield
      }) : () -> ()
    }
    %scan3A_17 = arith.constant 20 : i32
    %barrier3A_18 = arith.constant 0 : index
    tpu.barrier barrier_id(%barrier3A_18)
    %mul3A_19 = arith.constant 640 : i32
    %mul3A_20 = arith.muli %arg1, %mul3A_19 : i32
    %mul3A_21 = arith.constant 640 : i32
    %mul3A_22 = arith.muli %arg1, %mul3A_21 : i32
    "tpu.region"() ({
      %run_scoped3A_23 = tpu.sem_alloc : memref<!tpu.dma_semaphore, #tpu.memory_space<semaphore_mem>>
      %dma_start3A_24 = arith.constant 0 : i32
      %dma_start3A_25 = tpu.memref_slice %arg6[%arg0, %mul3A_22, %dma_start3A_24] : memref<2x10240x128xf32, #tpu.memory_space<hbm>> -> memref<1x640x128xf32, #tpu.memory_space<hbm>>
      %dma_start3A_26 = tpu.memref_squeeze %dma_start3A_25 : memref<1x640x128xf32, #tpu.memory_space<hbm>> -> memref<640x128xf32, #tpu.memory_space<hbm>>
      %dma_start3A_27 = arith.constant 0 : i32
      %dma_start3A_28 = tpu.memref_slice %arg13[%mul3A_20, %dma_start3A_27] : memref<10240x128xf32, #tpu.memory_space<vmem_shared>> -> memref<640x128xf32, #tpu.memory_space<vmem_shared>>
      tpu.enqueue_dma source(%dma_start3A_28 : memref<640x128xf32, #tpu.memory_space<vmem_shared>>) target(%dma_start3A_26 : memref<640x128xf32, #tpu.memory_space<hbm>>) target_semaphore(%run_scoped3A_23 : memref<!tpu.dma_semaphore, #tpu.memory_space<semaphore_mem>>)
      %dma_wait3A = arith.constant 0 : i32
      %dma_wait3A_29 = tpu.memref_slice %arg6[%arg0, %mul3A_22, %dma_wait3A] : memref<2x10240x128xf32, #tpu.memory_space<hbm>> -> memref<1x640x128xf32, #tpu.memory_space<hbm>>
      %dma_wait3A_30 = tpu.memref_squeeze %dma_wait3A_29 : memref<1x640x128xf32, #tpu.memory_space<hbm>> -> memref<640x128xf32, #tpu.memory_space<hbm>>
      %dma_wait3A_31 = arith.constant 0 : i32
      %dma_wait3A_32 = tpu.memref_slice %arg13[%mul3A_20, %dma_wait3A_31] : memref<10240x128xf32, #tpu.memory_space<vmem_shared>> -> memref<640x128xf32, #tpu.memory_space<vmem_shared>>
      tpu.wait_dma2 semaphore(%run_scoped3A_23 : memref<!tpu.dma_semaphore, #tpu.memory_space<semaphore_mem>>) src(%dma_wait3A_32 : memref<640x128xf32, #tpu.memory_space<vmem_shared>>) dst(%dma_wait3A_30 : memref<640x128xf32, #tpu.memory_space<hbm>>)
      tpu.yield
    }) : () -> ()
    return
  }
}

#map = affine_map<(d0, d1) -> (0)>
#map1 = affine_map<(d0, d1) -> (0, 0)>
module attributes {stable_mosaic.version = 14 : i64} {
  func.func @_deg_body(%arg0: i32, %arg1: i32, %arg2: memref<163840xi32, #tpu.memory_space<hbm>>, %arg3: memref<10240xf32, #tpu.memory_space<hbm>>, %arg4: memref<2x10240xf32, #tpu.memory_space<hbm>>, %arg5: memref<5120xi32, #tpu.memory_space<vmem>>, %arg6: memref<128xf32, #tpu.memory_space<vmem>>, %arg7: memref<10240xf32, #tpu.memory_space<vmem_shared>>) attributes {dimension_semantics = [#tpu.dimension_semantics<core_parallel>, #tpu.dimension_semantics<subcore_parallel>], iteration_bounds = array<i64: 2, 16>, scalar_prefetch = 0 : i64, scratch_operands = 3 : i64, tpu.core_type = #tpu.core_type<sc_vector_subcore>, window_params = [{transform_indices = #map}, {transform_indices = #map}, {transform_indices = #map1}]} {
    %broadcast_in_dim3A = arith.constant 1.000000e+00 : f32
    %broadcast_in_dim3A_0 = vector.broadcast %broadcast_in_dim3A : f32 to vector<16xf32>
    %swap3A = arith.constant 0 : index
    %swap3A_1 = tpu.vector_load %arg6[%swap3A] {strides = array<i32>} : memref<128xf32, #tpu.memory_space<vmem>>, vector<16xf32>,
    %swap3A_2 = vector.shape_cast %swap3A_1 : vector<16xf32> to vector<16xf32>
    %swap3A_3 = vector.shape_cast %broadcast_in_dim3A_0 : vector<16xf32> to vector<16xf32>
    tpu.vector_store %arg6[%swap3A], %swap3A_3 {strides = array<i32>} : memref<128xf32, #tpu.memory_space<vmem>>, vector<16xf32>,
    %broadcast_in_dim3A_4 = arith.constant 1.000000e+00 : f32
    %broadcast_in_dim3A_5 = vector.broadcast %broadcast_in_dim3A_4 : f32 to vector<16xf32>
    %swap3A_6 = arith.constant 16 : index
    %swap3A_7 = tpu.vector_load %arg6[%swap3A_6] {strides = array<i32>} : memref<128xf32, #tpu.memory_space<vmem>>, vector<16xf32>,
    %swap3A_8 = vector.shape_cast %swap3A_7 : vector<16xf32> to vector<16xf32>
    %swap3A_9 = vector.shape_cast %broadcast_in_dim3A_5 : vector<16xf32> to vector<16xf32>
    tpu.vector_store %arg6[%swap3A_6], %swap3A_9 {strides = array<i32>} : memref<128xf32, #tpu.memory_space<vmem>>, vector<16xf32>,
    %broadcast_in_dim3A_10 = arith.constant 1.000000e+00 : f32
    %broadcast_in_dim3A_11 = vector.broadcast %broadcast_in_dim3A_10 : f32 to vector<16xf32>
    %swap3A_12 = arith.constant 32 : index
    %swap3A_13 = tpu.vector_load %arg6[%swap3A_12] {strides = array<i32>} : memref<128xf32, #tpu.memory_space<vmem>>, vector<16xf32>,
    %swap3A_14 = vector.shape_cast %swap3A_13 : vector<16xf32> to vector<16xf32>
    %swap3A_15 = vector.shape_cast %broadcast_in_dim3A_11 : vector<16xf32> to vector<16xf32>
    tpu.vector_store %arg6[%swap3A_12], %swap3A_15 {strides = array<i32>} : memref<128xf32, #tpu.memory_space<vmem>>, vector<16xf32>,
    %broadcast_in_dim3A_16 = arith.constant 1.000000e+00 : f32
    %broadcast_in_dim3A_17 = vector.broadcast %broadcast_in_dim3A_16 : f32 to vector<16xf32>
    %swap3A_18 = arith.constant 48 : index
    %swap3A_19 = tpu.vector_load %arg6[%swap3A_18] {strides = array<i32>} : memref<128xf32, #tpu.memory_space<vmem>>, vector<16xf32>,
    %swap3A_20 = vector.shape_cast %swap3A_19 : vector<16xf32> to vector<16xf32>
    %swap3A_21 = vector.shape_cast %broadcast_in_dim3A_17 : vector<16xf32> to vector<16xf32>
    tpu.vector_store %arg6[%swap3A_18], %swap3A_21 {strides = array<i32>} : memref<128xf32, #tpu.memory_space<vmem>>, vector<16xf32>,
    %broadcast_in_dim3A_22 = arith.constant 1.000000e+00 : f32
    %broadcast_in_dim3A_23 = vector.broadcast %broadcast_in_dim3A_22 : f32 to vector<16xf32>
    %swap3A_24 = arith.constant 64 : index
    %swap3A_25 = tpu.vector_load %arg6[%swap3A_24] {strides = array<i32>} : memref<128xf32, #tpu.memory_space<vmem>>, vector<16xf32>,
    %swap3A_26 = vector.shape_cast %swap3A_25 : vector<16xf32> to vector<16xf32>
    %swap3A_27 = vector.shape_cast %broadcast_in_dim3A_23 : vector<16xf32> to vector<16xf32>
    tpu.vector_store %arg6[%swap3A_24], %swap3A_27 {strides = array<i32>} : memref<128xf32, #tpu.memory_space<vmem>>, vector<16xf32>,
    %broadcast_in_dim3A_28 = arith.constant 1.000000e+00 : f32
    %broadcast_in_dim3A_29 = vector.broadcast %broadcast_in_dim3A_28 : f32 to vector<16xf32>
    %swap3A_30 = arith.constant 80 : index
    %swap3A_31 = tpu.vector_load %arg6[%swap3A_30] {strides = array<i32>} : memref<128xf32, #tpu.memory_space<vmem>>, vector<16xf32>,
    %swap3A_32 = vector.shape_cast %swap3A_31 : vector<16xf32> to vector<16xf32>
    %swap3A_33 = vector.shape_cast %broadcast_in_dim3A_29 : vector<16xf32> to vector<16xf32>
    tpu.vector_store %arg6[%swap3A_30], %swap3A_33 {strides = array<i32>} : memref<128xf32, #tpu.memory_space<vmem>>, vector<16xf32>,
    %broadcast_in_dim3A_34 = arith.constant 1.000000e+00 : f32
    %broadcast_in_dim3A_35 = vector.broadcast %broadcast_in_dim3A_34 : f32 to vector<16xf32>
    %swap3A_36 = arith.constant 96 : index
    %swap3A_37 = tpu.vector_load %arg6[%swap3A_36] {strides = array<i32>} : memref<128xf32, #tpu.memory_space<vmem>>, vector<16xf32>,
    %swap3A_38 = vector.shape_cast %swap3A_37 : vector<16xf32> to vector<16xf32>
    %swap3A_39 = vector.shape_cast %broadcast_in_dim3A_35 : vector<16xf32> to vector<16xf32>
    tpu.vector_store %arg6[%swap3A_36], %swap3A_39 {strides = array<i32>} : memref<128xf32, #tpu.memory_space<vmem>>, vector<16xf32>,
    %broadcast_in_dim3A_40 = arith.constant 1.000000e+00 : f32
    %broadcast_in_dim3A_41 = vector.broadcast %broadcast_in_dim3A_40 : f32 to vector<16xf32>
    %swap3A_42 = arith.constant 112 : index
    %swap3A_43 = tpu.vector_load %arg6[%swap3A_42] {strides = array<i32>} : memref<128xf32, #tpu.memory_space<vmem>>, vector<16xf32>,
    %swap3A_44 = vector.shape_cast %swap3A_43 : vector<16xf32> to vector<16xf32>
    %swap3A_45 = vector.shape_cast %broadcast_in_dim3A_41 : vector<16xf32> to vector<16xf32>
    tpu.vector_store %arg6[%swap3A_42], %swap3A_45 {strides = array<i32>} : memref<128xf32, #tpu.memory_space<vmem>>, vector<16xf32>,
    %mul3A = arith.constant 640 : i32
    %mul3A_46 = arith.muli %arg1, %mul3A : i32
    %mul3A_47 = arith.constant 640 : i32
    %mul3A_48 = arith.muli %arg1, %mul3A_47 : i32
    "tpu.region"() ({
      %run_scoped3A = tpu.sem_alloc : memref<!tpu.dma_semaphore, #tpu.memory_space<semaphore_mem>>
      %dma_start3A = tpu.memref_slice %arg7[%mul3A_48] : memref<10240xf32, #tpu.memory_space<vmem_shared>> -> memref<640xf32, #tpu.memory_space<vmem_shared>>
      %dma_start3A_63 = tpu.memref_slice %arg3[%mul3A_46] : memref<10240xf32, #tpu.memory_space<hbm>> -> memref<640xf32, #tpu.memory_space<hbm>>
      tpu.enqueue_dma source(%dma_start3A_63 : memref<640xf32, #tpu.memory_space<hbm>>) target(%dma_start3A : memref<640xf32, #tpu.memory_space<vmem_shared>>) target_semaphore(%run_scoped3A : memref<!tpu.dma_semaphore, #tpu.memory_space<semaphore_mem>>)
      %dma_wait3A = tpu.memref_slice %arg7[%mul3A_48] : memref<10240xf32, #tpu.memory_space<vmem_shared>> -> memref<640xf32, #tpu.memory_space<vmem_shared>>
      %dma_wait3A_64 = tpu.memref_slice %arg3[%mul3A_46] : memref<10240xf32, #tpu.memory_space<hbm>> -> memref<640xf32, #tpu.memory_space<hbm>>
      tpu.wait_dma2 semaphore(%run_scoped3A : memref<!tpu.dma_semaphore, #tpu.memory_space<semaphore_mem>>) src(%dma_wait3A_64 : memref<640xf32, #tpu.memory_space<hbm>>) dst(%dma_wait3A : memref<640xf32, #tpu.memory_space<vmem_shared>>)
      tpu.yield
    }) : () -> ()
    %mul3A_49 = arith.constant 16 : i32
    %mul3A_50 = arith.muli %arg0, %mul3A_49 : i32
    %add3A = arith.addi %mul3A_50, %arg1 : i32
    %mul3A_51 = arith.constant 5120 : i32
    %mul3A_52 = arith.muli %add3A, %mul3A_51 : i32
    "tpu.region"() ({
      %run_scoped3A = tpu.sem_alloc : memref<!tpu.dma_semaphore, #tpu.memory_space<semaphore_mem>>
      %dma_start3A = tpu.memref_slice %arg2[%mul3A_52] : memref<163840xi32, #tpu.memory_space<hbm>> -> memref<5120xi32, #tpu.memory_space<hbm>>
      %dma_start3A_63 = tpu.memref_slice %arg2[%mul3A_52] : memref<163840xi32, #tpu.memory_space<hbm>> -> memref<5120xi32, #tpu.memory_space<hbm>>
      tpu.enqueue_dma source(%dma_start3A_63 : memref<5120xi32, #tpu.memory_space<hbm>>) target(%arg5 : memref<5120xi32, #tpu.memory_space<vmem>>) target_semaphore(%run_scoped3A : memref<!tpu.dma_semaphore, #tpu.memory_space<semaphore_mem>>)
      %dma_wait3A = tpu.memref_slice %arg2[%mul3A_52] : memref<163840xi32, #tpu.memory_space<hbm>> -> memref<5120xi32, #tpu.memory_space<hbm>>
      %dma_wait3A_64 = tpu.memref_slice %arg2[%mul3A_52] : memref<163840xi32, #tpu.memory_space<hbm>> -> memref<5120xi32, #tpu.memory_space<hbm>>
      tpu.wait_dma2 semaphore(%run_scoped3A : memref<!tpu.dma_semaphore, #tpu.memory_space<semaphore_mem>>) src(%dma_wait3A_64 : memref<5120xi32, #tpu.memory_space<hbm>>) dst(%arg5 : memref<5120xi32, #tpu.memory_space<vmem>>)
      tpu.yield
    }) : () -> ()
    %barrier3A = arith.constant 0 : index
    tpu.barrier barrier_id(%barrier3A)
    %scan3A = arith.constant 0 : i32
    %scan3A_53 = arith.constant 0 : i32
    %scan3A_54 = arith.constant 40 : i32
    %scan3A_55 = arith.addi %scan3A_53, %scan3A_54 : i32
    %scan3A_56 = arith.constant 1 : i32
    scf.for %scan3A_63 = %scan3A_53 to %scan3A_55 step %scan3A_56  : i32 {
      %mul3A_64 = arith.constant 128 : i32
      %mul3A_65 = arith.muli %scan3A_63, %mul3A_64 : i32
      "tpu.region"() ({
        %run_scoped3A = tpu.sem_alloc : memref<!tpu.dma_semaphore, #tpu.memory_space<semaphore_mem>>
        %dma_start3A = tpu.memref_slice %arg5[%mul3A_65] : memref<5120xi32, #tpu.memory_space<vmem>> -> memref<128xi32, #tpu.memory_space<vmem>>
        %dma_start3A_66 = arith.constant 0 : i32
        %dma_start3A_67 = tpu.memref_slice %arg7[%dma_start3A_66] : memref<10240xf32, #tpu.memory_space<vmem_shared>> -> memref<10240xf32, #tpu.memory_space<vmem_shared>>
        tpu.enqueue_indirect_dma source(%arg6 : memref<128xf32, #tpu.memory_space<vmem>>) target(%dma_start3A_67 : memref<10240xf32, #tpu.memory_space<vmem_shared>>) offsets(%dma_start3A : memref<128xi32, #tpu.memory_space<vmem>>) semaphore(%run_scoped3A : memref<!tpu.dma_semaphore, #tpu.memory_space<semaphore_mem>>) {add = true}
        %dma_wait3A = tpu.memref_slice %arg5[%mul3A_65] : memref<5120xi32, #tpu.memory_space<vmem>> -> memref<128xi32, #tpu.memory_space<vmem>>
        %dma_wait3A_68 = arith.constant 0 : i32
        %dma_wait3A_69 = tpu.memref_slice %arg7[%dma_wait3A_68] : memref<10240xf32, #tpu.memory_space<vmem_shared>> -> memref<10240xf32, #tpu.memory_space<vmem_shared>>
        tpu.wait_indirect_dma semaphore(%run_scoped3A : memref<!tpu.dma_semaphore, #tpu.memory_space<semaphore_mem>>) src(%arg6 : memref<128xf32, #tpu.memory_space<vmem>>) dst(%dma_wait3A_69 : memref<10240xf32, #tpu.memory_space<vmem_shared>>)
        tpu.yield
      }) : () -> ()
    }
    %scan3A_57 = arith.constant 40 : i32
    %barrier3A_58 = arith.constant 0 : index
    tpu.barrier barrier_id(%barrier3A_58)
    %mul3A_59 = arith.constant 640 : i32
    %mul3A_60 = arith.muli %arg1, %mul3A_59 : i32
    %mul3A_61 = arith.constant 640 : i32
    %mul3A_62 = arith.muli %arg1, %mul3A_61 : i32
    "tpu.region"() ({
      %run_scoped3A = tpu.sem_alloc : memref<!tpu.dma_semaphore, #tpu.memory_space<semaphore_mem>>
      %dma_start3A = tpu.memref_slice %arg4[%arg0, %mul3A_62] : memref<2x10240xf32, #tpu.memory_space<hbm>> -> memref<1x640xf32, #tpu.memory_space<hbm>>
      %dma_start3A_63 = tpu.memref_squeeze %dma_start3A : memref<1x640xf32, #tpu.memory_space<hbm>> -> memref<640xf32, #tpu.memory_space<hbm>>
      %dma_start3A_64 = tpu.memref_slice %arg7[%mul3A_60] : memref<10240xf32, #tpu.memory_space<vmem_shared>> -> memref<640xf32, #tpu.memory_space<vmem_shared>>
      tpu.enqueue_dma source(%dma_start3A_64 : memref<640xf32, #tpu.memory_space<vmem_shared>>) target(%dma_start3A_63 : memref<640xf32, #tpu.memory_space<hbm>>) target_semaphore(%run_scoped3A : memref<!tpu.dma_semaphore, #tpu.memory_space<semaphore_mem>>)
      %dma_wait3A = tpu.memref_slice %arg4[%arg0, %mul3A_62] : memref<2x10240xf32, #tpu.memory_space<hbm>> -> memref<1x640xf32, #tpu.memory_space<hbm>>
      %dma_wait3A_65 = tpu.memref_squeeze %dma_wait3A : memref<1x640xf32, #tpu.memory_space<hbm>> -> memref<640xf32, #tpu.memory_space<hbm>>
      %dma_wait3A_66 = tpu.memref_slice %arg7[%mul3A_60] : memref<10240xf32, #tpu.memory_space<vmem_shared>> -> memref<640xf32, #tpu.memory_space<vmem_shared>>
      tpu.wait_dma2 semaphore(%run_scoped3A : memref<!tpu.dma_semaphore, #tpu.memory_space<semaphore_mem>>) src(%dma_wait3A_66 : memref<640xf32, #tpu.memory_space<vmem_shared>>) dst(%dma_wait3A_65 : memref<640xf32, #tpu.memory_space<hbm>>)
      tpu.yield
    }) : () -> ()
    return
  }
}

#map = affine_map<(d0, d1) -> (0, 0)>
#map1 = affine_map<(d0, d1) -> (0)>
#map2 = affine_map<(d0, d1) -> (0, 0, 0)>
module attributes {stable_mosaic.version = 14 : i64} {
  func.func @_agg_body(%arg0: i32, %arg1: i32, %arg2: memref<2x163840xi32, #tpu.memory_space<hbm>>, %arg3: memref<163840xi32, #tpu.memory_space<hbm>>, %arg4: memref<20000x128xf32, #tpu.memory_space<hbm>>, %arg5: memref<10240x128xf32, #tpu.memory_space<hbm>>, %arg6: memref<2x10240x128xf32, #tpu.memory_space<hbm>>, %arg7: memref<5120xi32, #tpu.memory_space<vmem>>, %arg8: memref<5120xi32, #tpu.memory_space<vmem>>, %arg9: memref<128x128xf32, #tpu.memory_space<vmem>>, %arg10: memref<128x128xf32, #tpu.memory_space<vmem>>, %arg11: memref<!tpu.dma_semaphore, #tpu.memory_space<semaphore_mem>>, %arg12: memref<!tpu.dma_semaphore, #tpu.memory_space<semaphore_mem>>, %arg13: memref<10240x128xf32, #tpu.memory_space<vmem_shared>>) attributes {dimension_semantics = [#tpu.dimension_semantics<core_parallel>, #tpu.dimension_semantics<subcore_parallel>], iteration_bounds = array<i64: 2, 16>, scalar_prefetch = 0 : i64, scratch_operands = 7 : i64, tpu.core_type = #tpu.core_type<sc_vector_subcore>, window_params = [{transform_indices = #map}, {transform_indices = #map1}, {transform_indices = #map}, {transform_indices = #map}, {transform_indices = #map2}]} {
    %mul3A = arith.constant 640 : i32
    %mul3A_0 = arith.muli %arg1, %mul3A : i32
    %mul3A_1 = arith.constant 640 : i32
    %mul3A_2 = arith.muli %arg1, %mul3A_1 : i32
    "tpu.region"() ({
      %run_scoped3A = tpu.sem_alloc : memref<!tpu.dma_semaphore, #tpu.memory_space<semaphore_mem>>
      %dma_start3A_33 = arith.constant 0 : i32
      %dma_start3A_34 = tpu.memref_slice %arg13[%mul3A_2, %dma_start3A_33] : memref<10240x128xf32, #tpu.memory_space<vmem_shared>> -> memref<640x128xf32, #tpu.memory_space<vmem_shared>>
      %dma_start3A_35 = arith.constant 0 : i32
      %dma_start3A_36 = tpu.memref_slice %arg5[%mul3A_0, %dma_start3A_35] : memref<10240x128xf32, #tpu.memory_space<hbm>> -> memref<640x128xf32, #tpu.memory_space<hbm>>
      tpu.enqueue_dma source(%dma_start3A_36 : memref<640x128xf32, #tpu.memory_space<hbm>>) target(%dma_start3A_34 : memref<640x128xf32, #tpu.memory_space<vmem_shared>>) target_semaphore(%run_scoped3A : memref<!tpu.dma_semaphore, #tpu.memory_space<semaphore_mem>>)
      %dma_wait3A = arith.constant 0 : i32
      %dma_wait3A_37 = tpu.memref_slice %arg13[%mul3A_2, %dma_wait3A] : memref<10240x128xf32, #tpu.memory_space<vmem_shared>> -> memref<640x128xf32, #tpu.memory_space<vmem_shared>>
      %dma_wait3A_38 = arith.constant 0 : i32
      %dma_wait3A_39 = tpu.memref_slice %arg5[%mul3A_0, %dma_wait3A_38] : memref<10240x128xf32, #tpu.memory_space<hbm>> -> memref<640x128xf32, #tpu.memory_space<hbm>>
      tpu.wait_dma2 semaphore(%run_scoped3A : memref<!tpu.dma_semaphore, #tpu.memory_space<semaphore_mem>>) src(%dma_wait3A_39 : memref<640x128xf32, #tpu.memory_space<hbm>>) dst(%dma_wait3A_37 : memref<640x128xf32, #tpu.memory_space<vmem_shared>>)
      tpu.yield
    }) : () -> ()
    %mul3A_3 = arith.constant 10240 : i32
    %mul3A_4 = arith.muli %arg1, %mul3A_3 : i32
    %add3A = arith.constant 0 : i32
    %add3A_5 = arith.addi %mul3A_4, %add3A : i32
    "tpu.region"() ({
      %run_scoped3A = tpu.sem_alloc : memref<!tpu.dma_semaphore, #tpu.memory_space<semaphore_mem>>
      %dma_start3A_33 = tpu.memref_slice %arg2[%arg0, %add3A_5] : memref<2x163840xi32, #tpu.memory_space<hbm>> -> memref<1x5120xi32, #tpu.memory_space<hbm>>
      %dma_start3A_34 = tpu.memref_squeeze %dma_start3A_33 : memref<1x5120xi32, #tpu.memory_space<hbm>> -> memref<5120xi32, #tpu.memory_space<hbm>>
      %dma_start3A_35 = tpu.memref_slice %arg2[%arg0, %add3A_5] : memref<2x163840xi32, #tpu.memory_space<hbm>> -> memref<1x5120xi32, #tpu.memory_space<hbm>>
      %dma_start3A_36 = tpu.memref_squeeze %dma_start3A_35 : memref<1x5120xi32, #tpu.memory_space<hbm>> -> memref<5120xi32, #tpu.memory_space<hbm>>
      tpu.enqueue_dma source(%dma_start3A_36 : memref<5120xi32, #tpu.memory_space<hbm>>) target(%arg7 : memref<5120xi32, #tpu.memory_space<vmem>>) target_semaphore(%run_scoped3A : memref<!tpu.dma_semaphore, #tpu.memory_space<semaphore_mem>>)
      %dma_wait3A = tpu.memref_slice %arg2[%arg0, %add3A_5] : memref<2x163840xi32, #tpu.memory_space<hbm>> -> memref<1x5120xi32, #tpu.memory_space<hbm>>
      %dma_wait3A_37 = tpu.memref_squeeze %dma_wait3A : memref<1x5120xi32, #tpu.memory_space<hbm>> -> memref<5120xi32, #tpu.memory_space<hbm>>
      %dma_wait3A_38 = tpu.memref_slice %arg2[%arg0, %add3A_5] : memref<2x163840xi32, #tpu.memory_space<hbm>> -> memref<1x5120xi32, #tpu.memory_space<hbm>>
      %dma_wait3A_39 = tpu.memref_squeeze %dma_wait3A_38 : memref<1x5120xi32, #tpu.memory_space<hbm>> -> memref<5120xi32, #tpu.memory_space<hbm>>
      tpu.wait_dma2 semaphore(%run_scoped3A : memref<!tpu.dma_semaphore, #tpu.memory_space<semaphore_mem>>) src(%dma_wait3A_39 : memref<5120xi32, #tpu.memory_space<hbm>>) dst(%arg7 : memref<5120xi32, #tpu.memory_space<vmem>>)
      tpu.yield
    }) : () -> ()
    "tpu.region"() ({
      %run_scoped3A = tpu.sem_alloc : memref<!tpu.dma_semaphore, #tpu.memory_space<semaphore_mem>>
      %dma_start3A_33 = tpu.memref_slice %arg3[%add3A_5] : memref<163840xi32, #tpu.memory_space<hbm>> -> memref<5120xi32, #tpu.memory_space<hbm>>
      %dma_start3A_34 = tpu.memref_slice %arg3[%add3A_5] : memref<163840xi32, #tpu.memory_space<hbm>> -> memref<5120xi32, #tpu.memory_space<hbm>>
      tpu.enqueue_dma source(%dma_start3A_34 : memref<5120xi32, #tpu.memory_space<hbm>>) target(%arg8 : memref<5120xi32, #tpu.memory_space<vmem>>) target_semaphore(%run_scoped3A : memref<!tpu.dma_semaphore, #tpu.memory_space<semaphore_mem>>)
      %dma_wait3A = tpu.memref_slice %arg3[%add3A_5] : memref<163840xi32, #tpu.memory_space<hbm>> -> memref<5120xi32, #tpu.memory_space<hbm>>
      %dma_wait3A_35 = tpu.memref_slice %arg3[%add3A_5] : memref<163840xi32, #tpu.memory_space<hbm>> -> memref<5120xi32, #tpu.memory_space<hbm>>
      tpu.wait_dma2 semaphore(%run_scoped3A : memref<!tpu.dma_semaphore, #tpu.memory_space<semaphore_mem>>) src(%dma_wait3A_35 : memref<5120xi32, #tpu.memory_space<hbm>>) dst(%arg8 : memref<5120xi32, #tpu.memory_space<vmem>>)
      tpu.yield
    }) : () -> ()
    %barrier3A = arith.constant 0 : index
    tpu.barrier barrier_id(%barrier3A)
    %dma_start3A = arith.constant 0 : i32
    %dma_start3A_6 = tpu.memref_slice %arg7[%dma_start3A] : memref<5120xi32, #tpu.memory_space<vmem>> -> memref<128xi32, #tpu.memory_space<vmem>>
    %dma_start3A_7 = arith.constant 0 : i32
    %dma_start3A_8 = arith.constant 0 : i32
    %dma_start3A_9 = tpu.memref_slice %arg4[%dma_start3A_7, %dma_start3A_8] : memref<20000x128xf32, #tpu.memory_space<hbm>> -> memref<20000x128xf32, #tpu.memory_space<hbm>>
    tpu.enqueue_indirect_dma source(%dma_start3A_9 : memref<20000x128xf32, #tpu.memory_space<hbm>>) target(%arg9 : memref<128x128xf32, #tpu.memory_space<vmem>>) offsets(%dma_start3A_6 : memref<128xi32, #tpu.memory_space<vmem>>) semaphore(%arg11 : memref<!tpu.dma_semaphore, #tpu.memory_space<semaphore_mem>>)
    %scan3A = arith.constant 0 : i32
    %scan3A_10 = arith.constant 0 : i32
    %scan3A_11 = arith.constant 20 : i32
    %scan3A_12 = arith.addi %scan3A_10, %scan3A_11 : i32
    %scan3A_13 = arith.constant 1 : i32
    scf.for %scan3A_33 = %scan3A_10 to %scan3A_12 step %scan3A_13  : i32 {
      %mul3A_34 = arith.constant 2 : i32
      %mul3A_35 = arith.muli %mul3A_34, %scan3A_33 : i32
      %add3A_36 = arith.constant 0 : i32
      %add3A_37 = arith.addi %mul3A_35, %add3A_36 : i32
      %add3A_38 = arith.constant 2 : i32
      %add3A_39 = arith.addi %add3A_37, %add3A_38 : i32
      %sub3A = arith.constant 1 : i32
      %sub3A_40 = arith.subi %add3A_39, %sub3A : i32
      %lt3A = arith.constant 40 : i32
      %lt3A_41 = arith.cmpi slt, %sub3A_40, %lt3A : i32
      %convert_element_type3A = arith.extui %lt3A_41 : i1 to i32
      %cond3A = arith.constant 0 : i32
      %cond3A_42 = arith.cmpi ne, %convert_element_type3A, %cond3A : i32
      scf.if %cond3A_42 {
        %add3A_71 = arith.constant 2 : i32
        %add3A_72 = arith.addi %add3A_37, %add3A_71 : i32
        %sub3A_73 = arith.constant 1 : i32
        %sub3A_74 = arith.subi %add3A_72, %sub3A_73 : i32
        %mul3A_75 = arith.constant 128 : i32
        %mul3A_76 = arith.muli %sub3A_74, %mul3A_75 : i32
        %dma_start3A_77 = tpu.memref_slice %arg7[%mul3A_76] : memref<5120xi32, #tpu.memory_space<vmem>> -> memref<128xi32, #tpu.memory_space<vmem>>
        %dma_start3A_78 = arith.constant 0 : i32
        %dma_start3A_79 = arith.constant 0 : i32
        %dma_start3A_80 = tpu.memref_slice %arg4[%dma_start3A_78, %dma_start3A_79] : memref<20000x128xf32, #tpu.memory_space<hbm>> -> memref<20000x128xf32, #tpu.memory_space<hbm>>
        tpu.enqueue_indirect_dma source(%dma_start3A_80 : memref<20000x128xf32, #tpu.memory_space<hbm>>) target(%arg10 : memref<128x128xf32, #tpu.memory_space<vmem>>) offsets(%dma_start3A_77 : memref<128xi32, #tpu.memory_space<vmem>>) semaphore(%arg12 : memref<!tpu.dma_semaphore, #tpu.memory_space<semaphore_mem>>)
      } else {
      }
      %mul3A_43 = arith.constant 128 : i32
      %mul3A_44 = arith.muli %add3A_37, %mul3A_43 : i32
      %dma_wait3A = tpu.memref_slice %arg7[%mul3A_44] : memref<5120xi32, #tpu.memory_space<vmem>> -> memref<128xi32, #tpu.memory_space<vmem>>
      %dma_wait3A_45 = arith.constant 0 : i32
      %dma_wait3A_46 = arith.constant 0 : i32
      %dma_wait3A_47 = tpu.memref_slice %arg4[%dma_wait3A_45, %dma_wait3A_46] : memref<20000x128xf32, #tpu.memory_space<hbm>> -> memref<20000x128xf32, #tpu.memory_space<hbm>>
      tpu.wait_indirect_dma semaphore(%arg11 : memref<!tpu.dma_semaphore, #tpu.memory_space<semaphore_mem>>) src(%dma_wait3A_47 : memref<20000x128xf32, #tpu.memory_space<hbm>>) dst(%arg9 : memref<128x128xf32, #tpu.memory_space<vmem>>)
      %mul3A_48 = arith.constant 128 : i32
      %mul3A_49 = arith.muli %add3A_37, %mul3A_48 : i32
      "tpu.region"() ({
        %run_scoped3A = tpu.sem_alloc : memref<!tpu.dma_semaphore, #tpu.memory_space<semaphore_mem>>
        %dma_start3A_71 = tpu.memref_slice %arg8[%mul3A_49] : memref<5120xi32, #tpu.memory_space<vmem>> -> memref<128xi32, #tpu.memory_space<vmem>>
        %dma_start3A_72 = arith.constant 0 : i32
        %dma_start3A_73 = arith.constant 0 : i32
        %dma_start3A_74 = tpu.memref_slice %arg13[%dma_start3A_72, %dma_start3A_73] : memref<10240x128xf32, #tpu.memory_space<vmem_shared>> -> memref<10240x128xf32, #tpu.memory_space<vmem_shared>>
        tpu.enqueue_indirect_dma source(%arg9 : memref<128x128xf32, #tpu.memory_space<vmem>>) target(%dma_start3A_74 : memref<10240x128xf32, #tpu.memory_space<vmem_shared>>) offsets(%dma_start3A_71 : memref<128xi32, #tpu.memory_space<vmem>>) semaphore(%run_scoped3A : memref<!tpu.dma_semaphore, #tpu.memory_space<semaphore_mem>>) {add = true}
        %dma_wait3A_75 = tpu.memref_slice %arg8[%mul3A_49] : memref<5120xi32, #tpu.memory_space<vmem>> -> memref<128xi32, #tpu.memory_space<vmem>>
        %dma_wait3A_76 = arith.constant 0 : i32
        %dma_wait3A_77 = arith.constant 0 : i32
        %dma_wait3A_78 = tpu.memref_slice %arg13[%dma_wait3A_76, %dma_wait3A_77] : memref<10240x128xf32, #tpu.memory_space<vmem_shared>> -> memref<10240x128xf32, #tpu.memory_space<vmem_shared>>
        tpu.wait_indirect_dma semaphore(%run_scoped3A : memref<!tpu.dma_semaphore, #tpu.memory_space<semaphore_mem>>) src(%arg9 : memref<128x128xf32, #tpu.memory_space<vmem>>) dst(%dma_wait3A_78 : memref<10240x128xf32, #tpu.memory_space<vmem_shared>>)
        tpu.yield
      }) : () -> ()
      %mul3A_50 = arith.constant 2 : i32
      %mul3A_51 = arith.muli %mul3A_50, %scan3A_33 : i32
      %add3A_52 = arith.constant 1 : i32
      %add3A_53 = arith.addi %mul3A_51, %add3A_52 : i32
      %add3A_54 = arith.constant 2 : i32
      %add3A_55 = arith.addi %add3A_53, %add3A_54 : i32
      %sub3A_56 = arith.constant 1 : i32
      %sub3A_57 = arith.subi %add3A_55, %sub3A_56 : i32
      %lt3A_58 = arith.constant 40 : i32
      %lt3A_59 = arith.cmpi slt, %sub3A_57, %lt3A_58 : i32
      %convert_element_type3A_60 = arith.extui %lt3A_59 : i1 to i32
      %cond3A_61 = arith.constant 0 : i32
      %cond3A_62 = arith.cmpi ne, %convert_element_type3A_60, %cond3A_61 : i32
      scf.if %cond3A_62 {
        %add3A_71 = arith.constant 2 : i32
        %add3A_72 = arith.addi %add3A_53, %add3A_71 : i32
        %sub3A_73 = arith.constant 1 : i32
        %sub3A_74 = arith.subi %add3A_72, %sub3A_73 : i32
        %mul3A_75 = arith.constant 128 : i32
        %mul3A_76 = arith.muli %sub3A_74, %mul3A_75 : i32
        %dma_start3A_77 = tpu.memref_slice %arg7[%mul3A_76] : memref<5120xi32, #tpu.memory_space<vmem>> -> memref<128xi32, #tpu.memory_space<vmem>>
        %dma_start3A_78 = arith.constant 0 : i32
        %dma_start3A_79 = arith.constant 0 : i32
        %dma_start3A_80 = tpu.memref_slice %arg4[%dma_start3A_78, %dma_start3A_79] : memref<20000x128xf32, #tpu.memory_space<hbm>> -> memref<20000x128xf32, #tpu.memory_space<hbm>>
        tpu.enqueue_indirect_dma source(%dma_start3A_80 : memref<20000x128xf32, #tpu.memory_space<hbm>>) target(%arg9 : memref<128x128xf32, #tpu.memory_space<vmem>>) offsets(%dma_start3A_77 : memref<128xi32, #tpu.memory_space<vmem>>) semaphore(%arg11 : memref<!tpu.dma_semaphore, #tpu.memory_space<semaphore_mem>>)
      } else {
      }
      %mul3A_63 = arith.constant 128 : i32
      %mul3A_64 = arith.muli %add3A_53, %mul3A_63 : i32
      %dma_wait3A_65 = tpu.memref_slice %arg7[%mul3A_64] : memref<5120xi32, #tpu.memory_space<vmem>> -> memref<128xi32, #tpu.memory_space<vmem>>
      %dma_wait3A_66 = arith.constant 0 : i32
      %dma_wait3A_67 = arith.constant 0 : i32
      %dma_wait3A_68 = tpu.memref_slice %arg4[%dma_wait3A_66, %dma_wait3A_67] : memref<20000x128xf32, #tpu.memory_space<hbm>> -> memref<20000x128xf32, #tpu.memory_space<hbm>>
      tpu.wait_indirect_dma semaphore(%arg12 : memref<!tpu.dma_semaphore, #tpu.memory_space<semaphore_mem>>) src(%dma_wait3A_68 : memref<20000x128xf32, #tpu.memory_space<hbm>>) dst(%arg10 : memref<128x128xf32, #tpu.memory_space<vmem>>)
      %mul3A_69 = arith.constant 128 : i32
      %mul3A_70 = arith.muli %add3A_53, %mul3A_69 : i32
      "tpu.region"() ({
        %run_scoped3A = tpu.sem_alloc : memref<!tpu.dma_semaphore, #tpu.memory_space<semaphore_mem>>
        %dma_start3A_71 = tpu.memref_slice %arg8[%mul3A_70] : memref<5120xi32, #tpu.memory_space<vmem>> -> memref<128xi32, #tpu.memory_space<vmem>>
        %dma_start3A_72 = arith.constant 0 : i32
        %dma_start3A_73 = arith.constant 0 : i32
        %dma_start3A_74 = tpu.memref_slice %arg13[%dma_start3A_72, %dma_start3A_73] : memref<10240x128xf32, #tpu.memory_space<vmem_shared>> -> memref<10240x128xf32, #tpu.memory_space<vmem_shared>>
        tpu.enqueue_indirect_dma source(%arg10 : memref<128x128xf32, #tpu.memory_space<vmem>>) target(%dma_start3A_74 : memref<10240x128xf32, #tpu.memory_space<vmem_shared>>) offsets(%dma_start3A_71 : memref<128xi32, #tpu.memory_space<vmem>>) semaphore(%run_scoped3A : memref<!tpu.dma_semaphore, #tpu.memory_space<semaphore_mem>>) {add = true}
        %dma_wait3A_75 = tpu.memref_slice %arg8[%mul3A_70] : memref<5120xi32, #tpu.memory_space<vmem>> -> memref<128xi32, #tpu.memory_space<vmem>>
        %dma_wait3A_76 = arith.constant 0 : i32
        %dma_wait3A_77 = arith.constant 0 : i32
        %dma_wait3A_78 = tpu.memref_slice %arg13[%dma_wait3A_76, %dma_wait3A_77] : memref<10240x128xf32, #tpu.memory_space<vmem_shared>> -> memref<10240x128xf32, #tpu.memory_space<vmem_shared>>
        tpu.wait_indirect_dma semaphore(%run_scoped3A : memref<!tpu.dma_semaphore, #tpu.memory_space<semaphore_mem>>) src(%arg10 : memref<128x128xf32, #tpu.memory_space<vmem>>) dst(%dma_wait3A_78 : memref<10240x128xf32, #tpu.memory_space<vmem_shared>>)
        tpu.yield
      }) : () -> ()
    }
    %scan3A_14 = arith.constant 20 : i32
    %add3A_15 = arith.constant 5120 : i32
    %add3A_16 = arith.addi %mul3A_4, %add3A_15 : i32
    "tpu.region"() ({
      %run_scoped3A = tpu.sem_alloc : memref<!tpu.dma_semaphore, #tpu.memory_space<semaphore_mem>>
      %dma_start3A_33 = tpu.memref_slice %arg2[%arg0, %add3A_16] : memref<2x163840xi32, #tpu.memory_space<hbm>> -> memref<1x5120xi32, #tpu.memory_space<hbm>>
      %dma_start3A_34 = tpu.memref_squeeze %dma_start3A_33 : memref<1x5120xi32, #tpu.memory_space<hbm>> -> memref<5120xi32, #tpu.memory_space<hbm>>
      %dma_start3A_35 = tpu.memref_slice %arg2[%arg0, %add3A_16] : memref<2x163840xi32, #tpu.memory_space<hbm>> -> memref<1x5120xi32, #tpu.memory_space<hbm>>
      %dma_start3A_36 = tpu.memref_squeeze %dma_start3A_35 : memref<1x5120xi32, #tpu.memory_space<hbm>> -> memref<5120xi32, #tpu.memory_space<hbm>>
      tpu.enqueue_dma source(%dma_start3A_36 : memref<5120xi32, #tpu.memory_space<hbm>>) target(%arg7 : memref<5120xi32, #tpu.memory_space<vmem>>) target_semaphore(%run_scoped3A : memref<!tpu.dma_semaphore, #tpu.memory_space<semaphore_mem>>)
      %dma_wait3A = tpu.memref_slice %arg2[%arg0, %add3A_16] : memref<2x163840xi32, #tpu.memory_space<hbm>> -> memref<1x5120xi32, #tpu.memory_space<hbm>>
      %dma_wait3A_37 = tpu.memref_squeeze %dma_wait3A : memref<1x5120xi32, #tpu.memory_space<hbm>> -> memref<5120xi32, #tpu.memory_space<hbm>>
      %dma_wait3A_38 = tpu.memref_slice %arg2[%arg0, %add3A_16] : memref<2x163840xi32, #tpu.memory_space<hbm>> -> memref<1x5120xi32, #tpu.memory_space<hbm>>
      %dma_wait3A_39 = tpu.memref_squeeze %dma_wait3A_38 : memref<1x5120xi32, #tpu.memory_space<hbm>> -> memref<5120xi32, #tpu.memory_space<hbm>>
      tpu.wait_dma2 semaphore(%run_scoped3A : memref<!tpu.dma_semaphore, #tpu.memory_space<semaphore_mem>>) src(%dma_wait3A_39 : memref<5120xi32, #tpu.memory_space<hbm>>) dst(%arg7 : memref<5120xi32, #tpu.memory_space<vmem>>)
      tpu.yield
    }) : () -> ()
    "tpu.region"() ({
      %run_scoped3A = tpu.sem_alloc : memref<!tpu.dma_semaphore, #tpu.memory_space<semaphore_mem>>
      %dma_start3A_33 = tpu.memref_slice %arg3[%add3A_16] : memref<163840xi32, #tpu.memory_space<hbm>> -> memref<5120xi32, #tpu.memory_space<hbm>>
      %dma_start3A_34 = tpu.memref_slice %arg3[%add3A_16] : memref<163840xi32, #tpu.memory_space<hbm>> -> memref<5120xi32, #tpu.memory_space<hbm>>
      tpu.enqueue_dma source(%dma_start3A_34 : memref<5120xi32, #tpu.memory_space<hbm>>) target(%arg8 : memref<5120xi32, #tpu.memory_space<vmem>>) target_semaphore(%run_scoped3A : memref<!tpu.dma_semaphore, #tpu.memory_space<semaphore_mem>>)
      %dma_wait3A = tpu.memref_slice %arg3[%add3A_16] : memref<163840xi32, #tpu.memory_space<hbm>> -> memref<5120xi32, #tpu.memory_space<hbm>>
      %dma_wait3A_35 = tpu.memref_slice %arg3[%add3A_16] : memref<163840xi32, #tpu.memory_space<hbm>> -> memref<5120xi32, #tpu.memory_space<hbm>>
      tpu.wait_dma2 semaphore(%run_scoped3A : memref<!tpu.dma_semaphore, #tpu.memory_space<semaphore_mem>>) src(%dma_wait3A_35 : memref<5120xi32, #tpu.memory_space<hbm>>) dst(%arg8 : memref<5120xi32, #tpu.memory_space<vmem>>)
      tpu.yield
    }) : () -> ()
    %dma_start3A_17 = arith.constant 0 : i32
    %dma_start3A_18 = tpu.memref_slice %arg7[%dma_start3A_17] : memref<5120xi32, #tpu.memory_space<vmem>> -> memref<128xi32, #tpu.memory_space<vmem>>
    %dma_start3A_19 = arith.constant 0 : i32
    %dma_start3A_20 = arith.constant 0 : i32
    %dma_start3A_21 = tpu.memref_slice %arg4[%dma_start3A_19, %dma_start3A_20] : memref<20000x128xf32, #tpu.memory_space<hbm>> -> memref<20000x128xf32, #tpu.memory_space<hbm>>
    tpu.enqueue_indirect_dma source(%dma_start3A_21 : memref<20000x128xf32, #tpu.memory_space<hbm>>) target(%arg9 : memref<128x128xf32, #tpu.memory_space<vmem>>) offsets(%dma_start3A_18 : memref<128xi32, #tpu.memory_space<vmem>>) semaphore(%arg11 : memref<!tpu.dma_semaphore, #tpu.memory_space<semaphore_mem>>)
    %scan3A_22 = arith.constant 0 : i32
    %scan3A_23 = arith.constant 0 : i32
    %scan3A_24 = arith.constant 20 : i32
    %scan3A_25 = arith.addi %scan3A_23, %scan3A_24 : i32
    %scan3A_26 = arith.constant 1 : i32
    scf.for %scan3A_33 = %scan3A_23 to %scan3A_25 step %scan3A_26  : i32 {
      %mul3A_34 = arith.constant 2 : i32
      %mul3A_35 = arith.muli %mul3A_34, %scan3A_33 : i32
      %add3A_36 = arith.constant 0 : i32
      %add3A_37 = arith.addi %mul3A_35, %add3A_36 : i32
      %add3A_38 = arith.constant 2 : i32
      %add3A_39 = arith.addi %add3A_37, %add3A_38 : i32
      %sub3A = arith.constant 1 : i32
      %sub3A_40 = arith.subi %add3A_39, %sub3A : i32
      %lt3A = arith.constant 40 : i32
      %lt3A_41 = arith.cmpi slt, %sub3A_40, %lt3A : i32
      %convert_element_type3A = arith.extui %lt3A_41 : i1 to i32
      %cond3A = arith.constant 0 : i32
      %cond3A_42 = arith.cmpi ne, %convert_element_type3A, %cond3A : i32
      scf.if %cond3A_42 {
        %add3A_71 = arith.constant 2 : i32
        %add3A_72 = arith.addi %add3A_37, %add3A_71 : i32
        %sub3A_73 = arith.constant 1 : i32
        %sub3A_74 = arith.subi %add3A_72, %sub3A_73 : i32
        %mul3A_75 = arith.constant 128 : i32
        %mul3A_76 = arith.muli %sub3A_74, %mul3A_75 : i32
        %dma_start3A_77 = tpu.memref_slice %arg7[%mul3A_76] : memref<5120xi32, #tpu.memory_space<vmem>> -> memref<128xi32, #tpu.memory_space<vmem>>
        %dma_start3A_78 = arith.constant 0 : i32
        %dma_start3A_79 = arith.constant 0 : i32
        %dma_start3A_80 = tpu.memref_slice %arg4[%dma_start3A_78, %dma_start3A_79] : memref<20000x128xf32, #tpu.memory_space<hbm>> -> memref<20000x128xf32, #tpu.memory_space<hbm>>
        tpu.enqueue_indirect_dma source(%dma_start3A_80 : memref<20000x128xf32, #tpu.memory_space<hbm>>) target(%arg10 : memref<128x128xf32, #tpu.memory_space<vmem>>) offsets(%dma_start3A_77 : memref<128xi32, #tpu.memory_space<vmem>>) semaphore(%arg12 : memref<!tpu.dma_semaphore, #tpu.memory_space<semaphore_mem>>)
      } else {
      }
      %mul3A_43 = arith.constant 128 : i32
      %mul3A_44 = arith.muli %add3A_37, %mul3A_43 : i32
      %dma_wait3A = tpu.memref_slice %arg7[%mul3A_44] : memref<5120xi32, #tpu.memory_space<vmem>> -> memref<128xi32, #tpu.memory_space<vmem>>
      %dma_wait3A_45 = arith.constant 0 : i32
      %dma_wait3A_46 = arith.constant 0 : i32
      %dma_wait3A_47 = tpu.memref_slice %arg4[%dma_wait3A_45, %dma_wait3A_46] : memref<20000x128xf32, #tpu.memory_space<hbm>> -> memref<20000x128xf32, #tpu.memory_space<hbm>>
      tpu.wait_indirect_dma semaphore(%arg11 : memref<!tpu.dma_semaphore, #tpu.memory_space<semaphore_mem>>) src(%dma_wait3A_47 : memref<20000x128xf32, #tpu.memory_space<hbm>>) dst(%arg9 : memref<128x128xf32, #tpu.memory_space<vmem>>)
      %mul3A_48 = arith.constant 128 : i32
      %mul3A_49 = arith.muli %add3A_37, %mul3A_48 : i32
      "tpu.region"() ({
        %run_scoped3A = tpu.sem_alloc : memref<!tpu.dma_semaphore, #tpu.memory_space<semaphore_mem>>
        %dma_start3A_71 = tpu.memref_slice %arg8[%mul3A_49] : memref<5120xi32, #tpu.memory_space<vmem>> -> memref<128xi32, #tpu.memory_space<vmem>>
        %dma_start3A_72 = arith.constant 0 : i32
        %dma_start3A_73 = arith.constant 0 : i32
        %dma_start3A_74 = tpu.memref_slice %arg13[%dma_start3A_72, %dma_start3A_73] : memref<10240x128xf32, #tpu.memory_space<vmem_shared>> -> memref<10240x128xf32, #tpu.memory_space<vmem_shared>>
        tpu.enqueue_indirect_dma source(%arg9 : memref<128x128xf32, #tpu.memory_space<vmem>>) target(%dma_start3A_74 : memref<10240x128xf32, #tpu.memory_space<vmem_shared>>) offsets(%dma_start3A_71 : memref<128xi32, #tpu.memory_space<vmem>>) semaphore(%run_scoped3A : memref<!tpu.dma_semaphore, #tpu.memory_space<semaphore_mem>>) {add = true}
        %dma_wait3A_75 = tpu.memref_slice %arg8[%mul3A_49] : memref<5120xi32, #tpu.memory_space<vmem>> -> memref<128xi32, #tpu.memory_space<vmem>>
        %dma_wait3A_76 = arith.constant 0 : i32
        %dma_wait3A_77 = arith.constant 0 : i32
        %dma_wait3A_78 = tpu.memref_slice %arg13[%dma_wait3A_76, %dma_wait3A_77] : memref<10240x128xf32, #tpu.memory_space<vmem_shared>> -> memref<10240x128xf32, #tpu.memory_space<vmem_shared>>
        tpu.wait_indirect_dma semaphore(%run_scoped3A : memref<!tpu.dma_semaphore, #tpu.memory_space<semaphore_mem>>) src(%arg9 : memref<128x128xf32, #tpu.memory_space<vmem>>) dst(%dma_wait3A_78 : memref<10240x128xf32, #tpu.memory_space<vmem_shared>>)
        tpu.yield
      }) : () -> ()
      %mul3A_50 = arith.constant 2 : i32
      %mul3A_51 = arith.muli %mul3A_50, %scan3A_33 : i32
      %add3A_52 = arith.constant 1 : i32
      %add3A_53 = arith.addi %mul3A_51, %add3A_52 : i32
      %add3A_54 = arith.constant 2 : i32
      %add3A_55 = arith.addi %add3A_53, %add3A_54 : i32
      %sub3A_56 = arith.constant 1 : i32
      %sub3A_57 = arith.subi %add3A_55, %sub3A_56 : i32
      %lt3A_58 = arith.constant 40 : i32
      %lt3A_59 = arith.cmpi slt, %sub3A_57, %lt3A_58 : i32
      %convert_element_type3A_60 = arith.extui %lt3A_59 : i1 to i32
      %cond3A_61 = arith.constant 0 : i32
      %cond3A_62 = arith.cmpi ne, %convert_element_type3A_60, %cond3A_61 : i32
      scf.if %cond3A_62 {
        %add3A_71 = arith.constant 2 : i32
        %add3A_72 = arith.addi %add3A_53, %add3A_71 : i32
        %sub3A_73 = arith.constant 1 : i32
        %sub3A_74 = arith.subi %add3A_72, %sub3A_73 : i32
        %mul3A_75 = arith.constant 128 : i32
        %mul3A_76 = arith.muli %sub3A_74, %mul3A_75 : i32
        %dma_start3A_77 = tpu.memref_slice %arg7[%mul3A_76] : memref<5120xi32, #tpu.memory_space<vmem>> -> memref<128xi32, #tpu.memory_space<vmem>>
        %dma_start3A_78 = arith.constant 0 : i32
        %dma_start3A_79 = arith.constant 0 : i32
        %dma_start3A_80 = tpu.memref_slice %arg4[%dma_start3A_78, %dma_start3A_79] : memref<20000x128xf32, #tpu.memory_space<hbm>> -> memref<20000x128xf32, #tpu.memory_space<hbm>>
        tpu.enqueue_indirect_dma source(%dma_start3A_80 : memref<20000x128xf32, #tpu.memory_space<hbm>>) target(%arg9 : memref<128x128xf32, #tpu.memory_space<vmem>>) offsets(%dma_start3A_77 : memref<128xi32, #tpu.memory_space<vmem>>) semaphore(%arg11 : memref<!tpu.dma_semaphore, #tpu.memory_space<semaphore_mem>>)
      } else {
      }
      %mul3A_63 = arith.constant 128 : i32
      %mul3A_64 = arith.muli %add3A_53, %mul3A_63 : i32
      %dma_wait3A_65 = tpu.memref_slice %arg7[%mul3A_64] : memref<5120xi32, #tpu.memory_space<vmem>> -> memref<128xi32, #tpu.memory_space<vmem>>
      %dma_wait3A_66 = arith.constant 0 : i32
      %dma_wait3A_67 = arith.constant 0 : i32
      %dma_wait3A_68 = tpu.memref_slice %arg4[%dma_wait3A_66, %dma_wait3A_67] : memref<20000x128xf32, #tpu.memory_space<hbm>> -> memref<20000x128xf32, #tpu.memory_space<hbm>>
      tpu.wait_indirect_dma semaphore(%arg12 : memref<!tpu.dma_semaphore, #tpu.memory_space<semaphore_mem>>) src(%dma_wait3A_68 : memref<20000x128xf32, #tpu.memory_space<hbm>>) dst(%arg10 : memref<128x128xf32, #tpu.memory_space<vmem>>)
      %mul3A_69 = arith.constant 128 : i32
      %mul3A_70 = arith.muli %add3A_53, %mul3A_69 : i32
      "tpu.region"() ({
        %run_scoped3A = tpu.sem_alloc : memref<!tpu.dma_semaphore, #tpu.memory_space<semaphore_mem>>
        %dma_start3A_71 = tpu.memref_slice %arg8[%mul3A_70] : memref<5120xi32, #tpu.memory_space<vmem>> -> memref<128xi32, #tpu.memory_space<vmem>>
        %dma_start3A_72 = arith.constant 0 : i32
        %dma_start3A_73 = arith.constant 0 : i32
        %dma_start3A_74 = tpu.memref_slice %arg13[%dma_start3A_72, %dma_start3A_73] : memref<10240x128xf32, #tpu.memory_space<vmem_shared>> -> memref<10240x128xf32, #tpu.memory_space<vmem_shared>>
        tpu.enqueue_indirect_dma source(%arg10 : memref<128x128xf32, #tpu.memory_space<vmem>>) target(%dma_start3A_74 : memref<10240x128xf32, #tpu.memory_space<vmem_shared>>) offsets(%dma_start3A_71 : memref<128xi32, #tpu.memory_space<vmem>>) semaphore(%run_scoped3A : memref<!tpu.dma_semaphore, #tpu.memory_space<semaphore_mem>>) {add = true}
        %dma_wait3A_75 = tpu.memref_slice %arg8[%mul3A_70] : memref<5120xi32, #tpu.memory_space<vmem>> -> memref<128xi32, #tpu.memory_space<vmem>>
        %dma_wait3A_76 = arith.constant 0 : i32
        %dma_wait3A_77 = arith.constant 0 : i32
        %dma_wait3A_78 = tpu.memref_slice %arg13[%dma_wait3A_76, %dma_wait3A_77] : memref<10240x128xf32, #tpu.memory_space<vmem_shared>> -> memref<10240x128xf32, #tpu.memory_space<vmem_shared>>
        tpu.wait_indirect_dma semaphore(%run_scoped3A : memref<!tpu.dma_semaphore, #tpu.memory_space<semaphore_mem>>) src(%arg10 : memref<128x128xf32, #tpu.memory_space<vmem>>) dst(%dma_wait3A_78 : memref<10240x128xf32, #tpu.memory_space<vmem_shared>>)
        tpu.yield
      }) : () -> ()
    }
    %scan3A_27 = arith.constant 20 : i32
    %barrier3A_28 = arith.constant 0 : index
    tpu.barrier barrier_id(%barrier3A_28)
    %mul3A_29 = arith.constant 640 : i32
    %mul3A_30 = arith.muli %arg1, %mul3A_29 : i32
    %mul3A_31 = arith.constant 640 : i32
    %mul3A_32 = arith.muli %arg1, %mul3A_31 : i32
    "tpu.region"() ({
      %run_scoped3A = tpu.sem_alloc : memref<!tpu.dma_semaphore, #tpu.memory_space<semaphore_mem>>
      %dma_start3A_33 = arith.constant 0 : i32
      %dma_start3A_34 = tpu.memref_slice %arg6[%arg0, %mul3A_32, %dma_start3A_33] : memref<2x10240x128xf32, #tpu.memory_space<hbm>> -> memref<1x640x128xf32, #tpu.memory_space<hbm>>
      %dma_start3A_35 = tpu.memref_squeeze %dma_start3A_34 : memref<1x640x128xf32, #tpu.memory_space<hbm>> -> memref<640x128xf32, #tpu.memory_space<hbm>>
      %dma_start3A_36 = arith.constant 0 : i32
      %dma_start3A_37 = tpu.memref_slice %arg13[%mul3A_30, %dma_start3A_36] : memref<10240x128xf32, #tpu.memory_space<vmem_shared>> -> memref<640x128xf32, #tpu.memory_space<vmem_shared>>
      tpu.enqueue_dma source(%dma_start3A_37 : memref<640x128xf32, #tpu.memory_space<vmem_shared>>) target(%dma_start3A_35 : memref<640x128xf32, #tpu.memory_space<hbm>>) target_semaphore(%run_scoped3A : memref<!tpu.dma_semaphore, #tpu.memory_space<semaphore_mem>>)
      %dma_wait3A = arith.constant 0 : i32
      %dma_wait3A_38 = tpu.memref_slice %arg6[%arg0, %mul3A_32, %dma_wait3A] : memref<2x10240x128xf32, #tpu.memory_space<hbm>> -> memref<1x640x128xf32, #tpu.memory_space<hbm>>
      %dma_wait3A_39 = tpu.memref_squeeze %dma_wait3A_38 : memref<1x640x128xf32, #tpu.memory_space<hbm>> -> memref<640x128xf32, #tpu.memory_space<hbm>>
      %dma_wait3A_40 = arith.constant 0 : i32
      %dma_wait3A_41 = tpu.memref_slice %arg13[%mul3A_30, %dma_wait3A_40] : memref<10240x128xf32, #tpu.memory_space<vmem_shared>> -> memref<640x128xf32, #tpu.memory_space<vmem_shared>>
      tpu.wait_dma2 semaphore(%run_scoped3A : memref<!tpu.dma_semaphore, #tpu.memory_space<semaphore_mem>>) src(%dma_wait3A_41 : memref<640x128xf32, #tpu.memory_space<vmem_shared>>) dst(%dma_wait3A_39 : memref<640x128xf32, #tpu.memory_space<hbm>>)
      tpu.yield
    }) : () -> ()
    return
  }
}

module attributes {stable_mosaic.version = 14 : i64} {
  func.func @_b_body(%arg0: i32, %arg1: memref<2000x256xf32, #tpu.memory_space<vmem>>, %arg2: memref<256x256xbf16, #tpu.memory_space<vmem>>, %arg3: memref<2000x2xf32, #tpu.memory_space<vmem>>, %arg4: memref<2x2000x128xf32, #tpu.memory_space<vmem>>, %arg5: memref<2000x1xf32, #tpu.memory_space<vmem>>) attributes {dimension_semantics = [#tpu.dimension_semantics<arbitrary>], iteration_bounds = array<i64: 5>, scalar_prefetch = 0 : i64, scratch_operands = 0 : i64, tpu.core_type = #tpu.core_type<tc>, window_params = [{transform_indices = @transform_0, window_bounds = array<i64: 2000, 256>}, {pipeline_mode = #tpu.pipeline_mode<synchronous>, transform_indices = @transform_1, window_bounds = array<i64: 256, 256>}, {transform_indices = @transform_2, window_bounds = array<i64: 2000, 2>}, {transform_indices = @transform_3, window_bounds = array<i64: 2, 2000, 128>}, {transform_indices = @transform_4, window_bounds = array<i64: 2000, 1>}]} {
    %get3A = arith.constant 0 : index
    %get3A_0 = arith.constant 0 : index
    %get3A_1 = vector.load %arg3[%get3A, %get3A_0] : memref<2000x2xf32, #tpu.memory_space<vmem>>, vector<2000x1xf32>
    %get3A_2 = arith.constant 0 : index
    %get3A_3 = arith.constant 1 : index
    %get3A_4 = vector.load %arg3[%get3A_2, %get3A_3] : memref<2000x2xf32, #tpu.memory_space<vmem>>, vector<2000x1xf32>
    %add3A = arith.addf %get3A_1, %get3A_4 : vector<2000x1xf32>
    %add3A_5 = arith.constant 1.000000e+00 : f32
    %add3A_6 = vector.broadcast %add3A_5 : f32 to vector<2000x1xf32>
    %add3A_7 = arith.addf %add3A, %add3A_6 : vector<2000x1xf32>
    %rsqrt3A = math.rsqrt %add3A_7 : vector<2000x1xf32>
    %get3A_8 = arith.constant 0 : index
    %get3A_9 = arith.constant 0 : index
    %get3A_10 = vector.load %arg1[%get3A_8, %get3A_9] : memref<2000x256xf32, #tpu.memory_space<vmem>>, vector<2000x256xf32>
    %convert_element_type3A = arith.truncf %get3A_10 : vector<2000x256xf32> to vector<2000x256xbf16>
    %get3A_11 = arith.constant 0 : index
    %get3A_12 = arith.constant 0 : index
    %get3A_13 = vector.load %arg2[%get3A_11, %get3A_12] : memref<256x256xbf16, #tpu.memory_space<vmem>>, vector<256x256xbf16>
    %dot_general3A = arith.constant dense<0.000000e+00> : vector<2000x256xf32>
    %dot_general3A_14 = tpu.matmul %convert_element_type3A, %get3A_13, %dot_general3A {dimension_numbers = #tpu.dot_dimension_numbers<[1], [0], [0], [1], [0, 0, 1, 1], [], []>, transpose_lhs_hint = false} : vector<2000x256xbf16>, vector<256x256xbf16>, vector<2000x256xf32> -> vector<2000x256xf32>
    %mul3A = vector.broadcast %rsqrt3A : vector<2000x1xf32> to vector<2000x256xf32>
    %mul3A_15 = arith.mulf %dot_general3A_14, %mul3A : vector<2000x256xf32>
    %slice3A = vector.extract_strided_slice %mul3A_15 {offsets = [0, 0], sizes = [2000, 128], strides = [1, 1]} : vector<2000x256xf32> to vector<2000x128xf32>
    %swap3A = arith.constant 0 : index
    %swap3A_16 = arith.constant 0 : index
    %swap3A_17 = arith.constant 0 : index
    %swap3A_18 = vector.load %arg4[%swap3A, %swap3A_16, %swap3A_17] : memref<2x2000x128xf32, #tpu.memory_space<vmem>>, vector<1x2000x128xf32>
    %swap3A_19 = vector.shape_cast %swap3A_18 : vector<1x2000x128xf32> to vector<2000x128xf32>
    %swap3A_20 = vector.shape_cast %slice3A : vector<2000x128xf32> to vector<1x2000x128xf32>
    tpu.vector_store %arg4[%swap3A, %swap3A_16, %swap3A_17], %swap3A_20 {strides = array<i32>} : memref<2x2000x128xf32, #tpu.memory_space<vmem>>, vector<1x2000x128xf32>,
    %slice3A_21 = vector.extract_strided_slice %mul3A_15 {offsets = [0, 128], sizes = [2000, 128], strides = [1, 1]} : vector<2000x256xf32> to vector<2000x128xf32>
    %swap3A_22 = arith.constant 1 : index
    %swap3A_23 = arith.constant 0 : index
    %swap3A_24 = arith.constant 0 : index
    %swap3A_25 = vector.load %arg4[%swap3A_22, %swap3A_23, %swap3A_24] : memref<2x2000x128xf32, #tpu.memory_space<vmem>>, vector<1x2000x128xf32>
    %swap3A_26 = vector.shape_cast %swap3A_25 : vector<1x2000x128xf32> to vector<2000x128xf32>
    %swap3A_27 = vector.shape_cast %slice3A_21 : vector<2000x128xf32> to vector<1x2000x128xf32>
    tpu.vector_store %arg4[%swap3A_22, %swap3A_23, %swap3A_24], %swap3A_27 {strides = array<i32>} : memref<2x2000x128xf32, #tpu.memory_space<vmem>>, vector<1x2000x128xf32>,
    %swap3A_28 = arith.constant 0 : index
    %swap3A_29 = arith.constant 0 : index
    %swap3A_30 = vector.load %arg5[%swap3A_28, %swap3A_29] : memref<2000x1xf32, #tpu.memory_space<vmem>>, vector<2000x1xf32>
    tpu.vector_store %arg5[%swap3A_28, %swap3A_29], %rsqrt3A {strides = array<i32>} : memref<2000x1xf32, #tpu.memory_space<vmem>>, vector<2000x1xf32>,
    return
  }
  func.func @transform_0(%arg0: i32) -> (i32, i32) {
    %c0_i32 = arith.constant 0 : i32
    %c0_i32_0 = arith.constant 0 : i32
    return %arg0, %c0_i32 : i32, i32
  }
  func.func @transform_1(%arg0: i32) -> (i32, i32) {
    %c0_i32 = arith.constant 0 : i32
    %c0_i32_0 = arith.constant 0 : i32
    %c0_i32_1 = arith.constant 0 : i32
    return %c0_i32, %c0_i32_0 : i32, i32
  }
  func.func @transform_2(%arg0: i32) -> (i32, i32) {
    %c0_i32 = arith.constant 0 : i32
    %c0_i32_0 = arith.constant 0 : i32
    return %arg0, %c0_i32 : i32, i32
  }
  func.func @transform_3(%arg0: i32) -> (i32, i32, i32) {
    %c0_i32 = arith.constant 0 : i32
    %c0_i32_0 = arith.constant 0 : i32
    %c0_i32_1 = arith.constant 0 : i32
    return %c0_i32, %arg0, %c0_i32_0 : i32, i32, i32
  }
  func.func @transform_4(%arg0: i32) -> (i32, i32) {
    %c0_i32 = arith.constant 0 : i32
    %c0_i32_0 = arith.constant 0 : i32
    return %arg0, %c0_i32 : i32, i32
  }
}

module attributes {stable_mosaic.version = 14 : i64} {
  func.func @_d_body(%arg0: i32, %arg1: memref<1x2000x128xf32, #tpu.memory_space<vmem>>, %arg2: memref<1x2000x128xf32, #tpu.memory_space<vmem>>, %arg3: memref<1x2000x128xf32, #tpu.memory_space<vmem>>, %arg4: memref<1x2000x128xf32, #tpu.memory_space<vmem>>, %arg5: memref<2000x1xf32, #tpu.memory_space<vmem>>, %arg6: memref<1x256xf32, #tpu.memory_space<vmem>>, %arg7: memref<256x64xbf16, #tpu.memory_space<vmem>>, %arg8: memref<2000x128xf32, #tpu.memory_space<vmem>>) attributes {dimension_semantics = [#tpu.dimension_semantics<arbitrary>], iteration_bounds = array<i64: 5>, scalar_prefetch = 0 : i64, scratch_operands = 0 : i64, tpu.core_type = #tpu.core_type<tc>, window_params = [{transform_indices = @transform_0, window_bounds = array<i64: 1, 2000, 128>}, {transform_indices = @transform_1, window_bounds = array<i64: 1, 2000, 128>}, {transform_indices = @transform_2, window_bounds = array<i64: 1, 2000, 128>}, {transform_indices = @transform_3, window_bounds = array<i64: 1, 2000, 128>}, {transform_indices = @transform_4, window_bounds = array<i64: 2000, 1>}, {pipeline_mode = #tpu.pipeline_mode<synchronous>, transform_indices = @transform_5, window_bounds = array<i64: 1, 256>}, {pipeline_mode = #tpu.pipeline_mode<synchronous>, transform_indices = @transform_6, window_bounds = array<i64: 256, 64>}, {transform_indices = @transform_7, window_bounds = array<i64: 2000, 128>}]} {
    %get3A = arith.constant 0 : index
    %get3A_0 = arith.constant 0 : index
    %get3A_1 = arith.constant 0 : index
    %get3A_2 = vector.load %arg1[%get3A, %get3A_0, %get3A_1] : memref<1x2000x128xf32, #tpu.memory_space<vmem>>, vector<1x2000x128xf32>
    %get3A_3 = vector.shape_cast %get3A_2 : vector<1x2000x128xf32> to vector<2000x128xf32>
    %get3A_4 = arith.constant 0 : index
    %get3A_5 = arith.constant 0 : index
    %get3A_6 = arith.constant 0 : index
    %get3A_7 = vector.load %arg3[%get3A_4, %get3A_5, %get3A_6] : memref<1x2000x128xf32, #tpu.memory_space<vmem>>, vector<1x2000x128xf32>
    %get3A_8 = vector.shape_cast %get3A_7 : vector<1x2000x128xf32> to vector<2000x128xf32>
    %add3A = arith.addf %get3A_3, %get3A_8 : vector<2000x128xf32>
    %get3A_9 = arith.constant 0 : index
    %get3A_10 = arith.constant 0 : index
    %get3A_11 = arith.constant 0 : index
    %get3A_12 = vector.load %arg2[%get3A_9, %get3A_10, %get3A_11] : memref<1x2000x128xf32, #tpu.memory_space<vmem>>, vector<1x2000x128xf32>
    %get3A_13 = vector.shape_cast %get3A_12 : vector<1x2000x128xf32> to vector<2000x128xf32>
    %get3A_14 = arith.constant 0 : index
    %get3A_15 = arith.constant 0 : index
    %get3A_16 = arith.constant 0 : index
    %get3A_17 = vector.load %arg4[%get3A_14, %get3A_15, %get3A_16] : memref<1x2000x128xf32, #tpu.memory_space<vmem>>, vector<1x2000x128xf32>
    %get3A_18 = vector.shape_cast %get3A_17 : vector<1x2000x128xf32> to vector<2000x128xf32>
    %add3A_19 = arith.addf %get3A_13, %get3A_18 : vector<2000x128xf32>
    %concatenate3A = tpu.concatenate %add3A, %add3A_19 in 1 : vector<2000x128xf32>, vector<2000x128xf32> -> vector<2000x256xf32>
    %get3A_20 = arith.constant 0 : index
    %get3A_21 = arith.constant 0 : index
    %get3A_22 = vector.load %arg5[%get3A_20, %get3A_21] : memref<2000x1xf32, #tpu.memory_space<vmem>>, vector<2000x1xf32>
    %mul3A = vector.broadcast %get3A_22 : vector<2000x1xf32> to vector<2000x256xf32>
    %mul3A_23 = arith.mulf %concatenate3A, %mul3A : vector<2000x256xf32>
    %get3A_24 = arith.constant 0 : index
    %get3A_25 = arith.constant 0 : index
    %get3A_26 = vector.load %arg6[%get3A_24, %get3A_25] : memref<1x256xf32, #tpu.memory_space<vmem>>, vector<1x256xf32>
    %add3A_27 = vector.broadcast %get3A_26 : vector<1x256xf32> to vector<2000x256xf32>
    %add3A_28 = arith.addf %mul3A_23, %add3A_27 : vector<2000x256xf32>
    %max3A = arith.constant 0.000000e+00 : f32
    %max3A_29 = vector.broadcast %max3A : f32 to vector<2000x256xf32>
    %max3A_30 = arith.maximumf %add3A_28, %max3A_29 : vector<2000x256xf32>
    %convert_element_type3A = arith.truncf %max3A_30 : vector<2000x256xf32> to vector<2000x256xbf16>
    %get3A_31 = arith.constant 0 : index
    %get3A_32 = arith.constant 0 : index
    %get3A_33 = vector.load %arg7[%get3A_31, %get3A_32] : memref<256x64xbf16, #tpu.memory_space<vmem>>, vector<256x64xbf16>
    %dot_general3A = arith.constant dense<0.000000e+00> : vector<2000x64xf32>
    %dot_general3A_34 = tpu.matmul %convert_element_type3A, %get3A_33, %dot_general3A {dimension_numbers = #tpu.dot_dimension_numbers<[1], [0], [0], [1], [0, 0, 1, 1], [], []>, transpose_lhs_hint = false} : vector<2000x256xbf16>, vector<256x64xbf16>, vector<2000x64xf32> -> vector<2000x64xf32>
    %get3A_35 = arith.constant 0 : index
    %get3A_36 = arith.constant 0 : index
    %get3A_37 = vector.load %arg5[%get3A_35, %get3A_36] : memref<2000x1xf32, #tpu.memory_space<vmem>>, vector<2000x1xf32>
    %mul3A_38 = vector.broadcast %get3A_37 : vector<2000x1xf32> to vector<2000x64xf32>
    %mul3A_39 = arith.mulf %dot_general3A_34, %mul3A_38 : vector<2000x64xf32>
    %broadcast_in_dim3A = arith.constant 0.000000e+00 : f32
    %broadcast_in_dim3A_40 = vector.broadcast %broadcast_in_dim3A : f32 to vector<2000x64xf32>
    %concatenate3A_41 = tpu.concatenate %mul3A_39, %broadcast_in_dim3A_40 in 1 : vector<2000x64xf32>, vector<2000x64xf32> -> vector<2000x128xf32>
    %swap3A = arith.constant 0 : index
    %swap3A_42 = arith.constant 0 : index
    %swap3A_43 = vector.load %arg8[%swap3A, %swap3A_42] : memref<2000x128xf32, #tpu.memory_space<vmem>>, vector<2000x128xf32>
    tpu.vector_store %arg8[%swap3A, %swap3A_42], %concatenate3A_41 {strides = array<i32>} : memref<2000x128xf32, #tpu.memory_space<vmem>>, vector<2000x128xf32>,
    return
  }
  func.func @transform_0(%arg0: i32) -> (i32, i32, i32) {
    %c0_i32 = arith.constant 0 : i32
    %c0_i32_0 = arith.constant 0 : i32
    %c0_i32_1 = arith.constant 0 : i32
    return %c0_i32, %arg0, %c0_i32_0 : i32, i32, i32
  }
  func.func @transform_1(%arg0: i32) -> (i32, i32, i32) {
    %c1_i32 = arith.constant 1 : i32
    %c0_i32 = arith.constant 0 : i32
    %c0_i32_0 = arith.constant 0 : i32
    return %c1_i32, %arg0, %c0_i32 : i32, i32, i32
  }
  func.func @transform_2(%arg0: i32) -> (i32, i32, i32) {
    %c0_i32 = arith.constant 0 : i32
    %c0_i32_0 = arith.constant 0 : i32
    %c0_i32_1 = arith.constant 0 : i32
    return %c0_i32, %arg0, %c0_i32_0 : i32, i32, i32
  }
  func.func @transform_3(%arg0: i32) -> (i32, i32, i32) {
    %c1_i32 = arith.constant 1 : i32
    %c0_i32 = arith.constant 0 : i32
    %c0_i32_0 = arith.constant 0 : i32
    return %c1_i32, %arg0, %c0_i32 : i32, i32, i32
  }
  func.func @transform_4(%arg0: i32) -> (i32, i32) {
    %c0_i32 = arith.constant 0 : i32
    %c0_i32_0 = arith.constant 0 : i32
    return %arg0, %c0_i32 : i32, i32
  }
  func.func @transform_5(%arg0: i32) -> (i32, i32) {
    %c0_i32 = arith.constant 0 : i32
    %c0_i32_0 = arith.constant 0 : i32
    %c0_i32_1 = arith.constant 0 : i32
    return %c0_i32, %c0_i32_0 : i32, i32
  }
  func.func @transform_6(%arg0: i32) -> (i32, i32) {
    %c0_i32 = arith.constant 0 : i32
    %c0_i32_0 = arith.constant 0 : i32
    %c0_i32_1 = arith.constant 0 : i32
    return %c0_i32, %c0_i32_0 : i32, i32
  }
  func.func @transform_7(%arg0: i32) -> (i32, i32) {
    %c0_i32 = arith.constant 0 : i32
    %c0_i32_0 = arith.constant 0 : i32
    return %arg0, %c0_i32 : i32, i32
  }
}

module attributes {stable_mosaic.version = 14 : i64} {
  func.func @_f_body(%arg0: i32, %arg1: memref<1x2000x128xf32, #tpu.memory_space<vmem>>, %arg2: memref<1x2000x128xf32, #tpu.memory_space<vmem>>, %arg3: memref<2000x128xf32, #tpu.memory_space<vmem>>, %arg4: memref<2000x1xf32, #tpu.memory_space<vmem>>, %arg5: memref<1x64xf32, #tpu.memory_space<vmem>>, %arg6: memref<2000x64xf32, #tpu.memory_space<vmem>>) attributes {dimension_semantics = [#tpu.dimension_semantics<arbitrary>], iteration_bounds = array<i64: 5>, scalar_prefetch = 0 : i64, scratch_operands = 0 : i64, tpu.core_type = #tpu.core_type<tc>, window_params = [{transform_indices = @transform_0, window_bounds = array<i64: 1, 2000, 128>}, {transform_indices = @transform_1, window_bounds = array<i64: 1, 2000, 128>}, {transform_indices = @transform_2, window_bounds = array<i64: 2000, 128>}, {transform_indices = @transform_3, window_bounds = array<i64: 2000, 1>}, {pipeline_mode = #tpu.pipeline_mode<synchronous>, transform_indices = @transform_4, window_bounds = array<i64: 1, 64>}, {transform_indices = @transform_5, window_bounds = array<i64: 2000, 64>}]} {
    %get3A = arith.constant 0 : index
    %get3A_0 = arith.constant 0 : index
    %get3A_1 = arith.constant 0 : index
    %get3A_2 = vector.load %arg1[%get3A, %get3A_0, %get3A_1] : memref<1x2000x128xf32, #tpu.memory_space<vmem>>, vector<1x2000x64xf32>
    %get3A_3 = vector.shape_cast %get3A_2 : vector<1x2000x64xf32> to vector<2000x64xf32>
    %get3A_4 = arith.constant 0 : index
    %get3A_5 = arith.constant 0 : index
    %get3A_6 = arith.constant 0 : index
    %get3A_7 = vector.load %arg2[%get3A_4, %get3A_5, %get3A_6] : memref<1x2000x128xf32, #tpu.memory_space<vmem>>, vector<1x2000x64xf32>
    %get3A_8 = vector.shape_cast %get3A_7 : vector<1x2000x64xf32> to vector<2000x64xf32>
    %add3A = arith.addf %get3A_3, %get3A_8 : vector<2000x64xf32>
    %get3A_9 = arith.constant 0 : index
    %get3A_10 = arith.constant 0 : index
    %get3A_11 = vector.load %arg3[%get3A_9, %get3A_10] : memref<2000x128xf32, #tpu.memory_space<vmem>>, vector<2000x64xf32>
    %add3A_12 = arith.addf %add3A, %get3A_11 : vector<2000x64xf32>
    %get3A_13 = arith.constant 0 : index
    %get3A_14 = arith.constant 0 : index
    %get3A_15 = vector.load %arg4[%get3A_13, %get3A_14] : memref<2000x1xf32, #tpu.memory_space<vmem>>, vector<2000x1xf32>
    %mul3A = vector.broadcast %get3A_15 : vector<2000x1xf32> to vector<2000x64xf32>
    %mul3A_16 = arith.mulf %add3A_12, %mul3A : vector<2000x64xf32>
    %get3A_17 = arith.constant 0 : index
    %get3A_18 = arith.constant 0 : index
    %get3A_19 = vector.load %arg5[%get3A_17, %get3A_18] : memref<1x64xf32, #tpu.memory_space<vmem>>, vector<1x64xf32>
    %add3A_20 = vector.broadcast %get3A_19 : vector<1x64xf32> to vector<2000x64xf32>
    %add3A_21 = arith.addf %mul3A_16, %add3A_20 : vector<2000x64xf32>
    %reduce_max3A = arith.constant dense<0xFF800000> : vector<2000xf32>
    %reduce_max3A_22 = vector.multi_reduction <maximumf>, %add3A_21, %reduce_max3A [1] : vector<2000x64xf32> to vector<2000xf32>
    %broadcast_in_dim3A = vector.shape_cast %reduce_max3A_22 : vector<2000xf32> to vector<2000x1xf32>
    %sub3A = vector.broadcast %broadcast_in_dim3A : vector<2000x1xf32> to vector<2000x64xf32>
    %sub3A_23 = arith.subf %add3A_21, %sub3A : vector<2000x64xf32>
    %exp3A = math.exp %sub3A_23 : vector<2000x64xf32>
    %reduce_sum3A = arith.constant dense<0.000000e+00> : vector<2000xf32>
    %reduce_sum3A_24 = vector.multi_reduction <add>, %exp3A, %reduce_sum3A [1] : vector<2000x64xf32> to vector<2000xf32>
    %broadcast_in_dim3A_25 = vector.shape_cast %reduce_sum3A_24 : vector<2000xf32> to vector<2000x1xf32>
    %log3A = math.log %broadcast_in_dim3A_25 : vector<2000x1xf32>
    %sub3A_26 = vector.broadcast %broadcast_in_dim3A : vector<2000x1xf32> to vector<2000x64xf32>
    %sub3A_27 = arith.subf %add3A_21, %sub3A_26 : vector<2000x64xf32>
    %sub3A_28 = vector.broadcast %log3A : vector<2000x1xf32> to vector<2000x64xf32>
    %sub3A_29 = arith.subf %sub3A_27, %sub3A_28 : vector<2000x64xf32>
    %swap3A = arith.constant 0 : index
    %swap3A_30 = arith.constant 0 : index
    %swap3A_31 = vector.load %arg6[%swap3A, %swap3A_30] : memref<2000x64xf32, #tpu.memory_space<vmem>>, vector<2000x64xf32>
    tpu.vector_store %arg6[%swap3A, %swap3A_30], %sub3A_29 {strides = array<i32>} : memref<2000x64xf32, #tpu.memory_space<vmem>>, vector<2000x64xf32>,
    return
  }
  func.func @transform_0(%arg0: i32) -> (i32, i32, i32) {
    %c0_i32 = arith.constant 0 : i32
    %c0_i32_0 = arith.constant 0 : i32
    %c0_i32_1 = arith.constant 0 : i32
    return %c0_i32, %arg0, %c0_i32_0 : i32, i32, i32
  }
  func.func @transform_1(%arg0: i32) -> (i32, i32, i32) {
    %c1_i32 = arith.constant 1 : i32
    %c0_i32 = arith.constant 0 : i32
    %c0_i32_0 = arith.constant 0 : i32
    return %c1_i32, %arg0, %c0_i32 : i32, i32, i32
  }
  func.func @transform_2(%arg0: i32) -> (i32, i32) {
    %c0_i32 = arith.constant 0 : i32
    %c0_i32_0 = arith.constant 0 : i32
    return %arg0, %c0_i32 : i32, i32
  }
  func.func @transform_3(%arg0: i32) -> (i32, i32) {
    %c0_i32 = arith.constant 0 : i32
    %c0_i32_0 = arith.constant 0 : i32
    return %arg0, %c0_i32 : i32, i32
  }
  func.func @transform_4(%arg0: i32) -> (i32, i32) {
    %c0_i32 = arith.constant 0 : i32
    %c0_i32_0 = arith.constant 0 : i32
    %c0_i32_1 = arith.constant 0 : i32
    return %c0_i32, %c0_i32_0 : i32, i32
  }
  func.func @transform_5(%arg0: i32) -> (i32, i32) {
    %c0_i32 = arith.constant 0 : i32
    %c0_i32_0 = arith.constant 0 : i32
    return %arg0, %c0_i32 : i32, i32
  }
}

</mosaic_0001>

<sc_bundles>
// kernel: kernel.11.cloned.1.call-start
scs
__scs_entry_jumppad:
0x0: {  	(pc) =	sbr.rel $0x88, $3  }
0x1: {  	(tag) =	ssettag $0x0;
	lr =	simm.s32 $0x1  }
0x2: {  	[smem:$0x3F9B] =	sst lr;
	_ =	strace $0xD0000000  }
0x3: {  	_ = 	snop  }
0x4: {  	_ = 	snop  }
0x5: {  	_ = 	snop  }
0x6: {  	_ = 	snop  }
0x7: {  	_ = 	snop  }
__scs_overlays_trampoline_lowered:
0x8: {  	[smem:$0x3FAA] =	sst s0  }
0x9: {  	[smem:$0x3FAB] =	sst s1  }
0xa: {  	[smem:$0x3FAC] =	sst s2  }
0xb: {  	[smem:$0x3FAD] =	sst s3  }
0xc: {  	[smem:$0x3FAE] =	sst s4  }
0xd: {  	[smem:$0x3FAF] =	sst s5  }
0xe: {  	[smem:$0x3FB0] =	sst s6  }
0xf: {  	[smem:$0x3FB1] =	sst s7  }
0x10: {  	[smem:$0x3FB2] =	sst s8  }
0x11: {  	[smem:$0x3FB3] =	sst s9;
	s0 =	simm.s32 @!p0 $0x0  }
0x12: {  	s1 =	sld [smem:$0x3F99];
	s0 =	simm.s32 @p0 $0x1  }
0x13: {  	[smem:$0x3FB4] =	sst s0;
	s0 =	simm.s32 @!p1 $0x0  }
0x14: {  	s2 =	sld [smem:$0x3F98];
	s0 =	simm.s32 @p1 $0x1  }
0x15: {  	[smem:$0x3FB5] =	sst s0;
	s0 =	simm.s32 @!p2 $0x0  }
0x16: {  	s3 =	sld [smem:$0x3FDB];
	s0 =	simm.s32 @p2 $0x1  }
0x17: {  	s4 =	simm.s32 $0x1BF5;
	[smem:$0x3FB7] =	sst s0  }
0x18: {  	s0 =	sld [smem:$0x3F9A];
	_ =	swait.ge [sflag:s4], $0x0  }
0x19: {  	s7 =	sld [smem:$0x3F9B]  }
0x1a: {  	s8 =	sadd.s32 $0xFFFFE003, lr  }
0x1b: {  	s9 =	sadd.s32 $0xFFFFFEF7, lr;
	s5 =	simm.s32 $0xFFFFFFFF;
	p2 =	slt.u32 s8, $0xFFFFF086  }
0x1c: {  	p1 =	slt.u32 s9, $0xF7A;
	s5 =	simm.s32 @!p2 $0x0  }
0x1d: {  	s5 =	simm.s32 @p1 $0x1;
	p0 =	seq.s32 s7, s2  }
0x1e: {  	s7 =	smul.u32 @!p0 $0xF7A, s2;
	p2 =	seq.s32 @!p0 s5, $0x0  }
0x1f: {  	s9 =	smul.u32 $0xF7A, s1;
	s8 =	simm.s32 @!p0 $0x1BF5;
	p2 =	por !p2, p0  }
0x20: {  	[sflag:s8] =	ssyncset.s32 @!p0 $0xFFFFF086;
	s6 =	sadd.s32 @!p0 s3, s7;
	s7 =	simm.s32 @!p0 $0x108  }
0x21: {  	s3 =	sadd.s32 s3, s9;
	s6 =	sadd.s32 @!p0 $0x88, s6;
	s7 =	simm.s32 @p2 $0x1082  }
0x22: {  	[simem:s7], [sflag:s8] =	dma.local @!p0 [hbm:s6], $0xF7A  }
0x23: {  	s9 =	sor.u32 $0xD0000000, s2;
	s6 =	simm.s32 $0x108;
	_ =	swait.ge @!p0 [sflag:s8], $0x0  }
0x24: {  	s3 =	sadd.s32 $0x88, s3;
	s6 =	simm.s32 @!p1 $0x1082;
	[sflag:s4] =	ssyncset.s32 $0xFFFFF086  }
0x25: {  	[simem:s6], [sflag:s4] =	dma.local [hbm:s3], $0xF7A  }
0x26: {  	[smem:$0x3F9B] =	sst s1;
	(tag) =	ssettag s2;
	_ =	strace s9  }
0x27: {  	s1 =	sld [smem:$0x3FAB]  }
0x28: {  	s2 =	sld [smem:$0x3FAC]  }
0x29: {  	s4 =	sld [smem:$0x3FAE]  }
0x2a: {  	p0 =	seq.s32 s5, $0x0;
	s5 =	sld [smem:$0x3FAF]  }
0x2b: {  	s6 =	sld [smem:$0x3FB0]  }
0x2c: {  	s7 =	sld [smem:$0x3FB1]  }
0x2d: {  	s3 =	simm.s32 $0x108;
	s8 =	sld [smem:$0x3FB2]  }
0x2e: {  	s3 =	simm.s32 @!p0 $0x1082;
	s9 =	sld [smem:$0x3FB3]  }
0x2f: {  	lr =	sadd.s32 s0, s3;
	s0 =	sld [smem:$0x3FAA]  }
0x30: {  	s3 =	sld [smem:$0x3FAD]  }
0x31: {  	[smem:$0x3FB6] =	sst s10  }
0x32: {  	s10 =	sld [smem:$0x3FB4];
	_ =	sdelay $0x3  }
0x33: {  	p0 =	seq.s32 s10, $0x1;
	s10 =	sld [smem:$0x3FB6];
	_ =	sdelay $0x3  }
0x34: {  	[smem:$0x3FB6] =	sst s10  }
0x35: {  	s10 =	sld [smem:$0x3FB5];
	_ =	sdelay $0x3  }
0x36: {  	p1 =	seq.s32 s10, $0x1;
	s10 =	sld [smem:$0x3FB6];
	_ =	sdelay $0x3  }
0x37: {  	[smem:$0x3FB6] =	sst s10  }
0x38: {  	s10 =	sld [smem:$0x3FB7]  }
0x39: {  	_ = 	snop;
	(pc) =	sbr.ind lr, $3  }
0x3a: {  	_ = 	snop  }
0x3b: {  	_ = 	snop  }
0x3c: {  	p2 =	seq.s32 s10, $0x1;
	s10 =	sld [smem:$0x3FB6]  }
0x3d: {  	_ =	shalt  }
0x3e: {  	_ =	shalt  }
0x3f: {  	_ =	shalt  }
0x40: {  	_ =	shalt  }
0x41: {  	_ =	shalt  }
0x42: {  	_ =	shalt  }
0x43: {  	_ =	shalt  }
0x44: {  	_ =	shalt  }
0x45: {  	_ =	shalt  }
0x46: {  	_ =	shalt  }
0x47: {  	_ =	shalt  }
0x48: {  	_ =	shalt  }
0x49: {  	_ =	shalt  }
0x4a: {  	_ =	shalt  }
0x4b: {  	_ =	shalt  }
0x4c: {  	_ =	shalt  }
0x4d: {  	_ =	shalt  }
0x4e: {  	_ =	shalt  }
0x4f: {  	_ =	shalt  }
0x50: {  	_ =	shalt  }
0x51: {  	_ =	shalt  }
0x52: {  	_ =	shalt  }
0x53: {  	_ =	shalt  }
0x54: {  	_ =	shalt  }
0x55: {  	_ =	shalt  }
0x56: {  	_ =	shalt  }
0x57: {  	_ =	shalt  }
0x58: {  	_ =	shalt  }
0x59: {  	_ =	shalt  }
0x5a: {  	_ =	shalt  }
0x5b: {  	_ =	shalt  }
0x5c: {  	_ =	shalt  }
0x5d: {  	_ =	shalt  }
0x5e: {  	_ =	shalt  }
0x5f: {  	_ =	shalt  }
0x60: {  	_ =	shalt  }
0x61: {  	_ =	shalt  }
0x62: {  	_ =	shalt  }
0x63: {  	_ =	shalt  }
0x64: {  	_ =	shalt  }
0x65: {  	_ =	shalt  }
0x66: {  	_ =	shalt  }
0x67: {  	_ =	shalt  }
0x68: {  	_ =	shalt  }
0x69: {  	_ =	shalt  }
0x6a: {  	_ =	shalt  }
0x6b: {  	_ =	shalt  }
0x6c: {  	_ =	shalt  }
0x6d: {  	_ =	shalt  }
0x6e: {  	_ =	shalt  }
0x6f: {  	_ =	shalt  }
0x70: {  	_ =	shalt  }
0x71: {  	_ =	shalt  }
0x72: {  	_ =	shalt  }
0x73: {  	_ =	shalt  }
0x74: {  	_ =	shalt  }
0x75: {  	_ =	shalt  }
0x76: {  	_ =	shalt  }
0x77: {  	_ =	shalt  }
0x78: {  	_ =	shalt  }
0x79: {  	_ =	shalt  }
0x7a: {  	_ =	shalt  }
0x7b: {  	_ =	shalt  }
0x7c: {  	_ =	shalt  }
0x7d: {  	_ =	shalt  }
0x7e: {  	_ =	shalt  }
0x7f: {  	_ =	shalt  }
0x80: {  	_ =	shalt  }
0x81: {  	_ =	shalt  }
0x82: {  	_ =	shalt  }
0x83: {  	_ =	shalt  }
0x84: {  	_ =	shalt  }
0x85: {  	_ =	shalt  }
0x86: {  	_ =	shalt  }
0x87: {  	_ =	shalt  }
.Lfunc_end0:
.L_simem_size_0:
called_computation.1_lowered:
.L_overlay_start_0:
0x88: {  	s2 =	sld [smem:$0x3FD9]  }
0x89: {  	s3 =	sld [smem:$0x3FFE];
	_ =	sdelay $0x1  }
0x8a: {  	s1 =	srdreg.scid  }
0x8b: {  	s0 =	sand.u32 $0x1, s1  }
0x8c: {  	s17 =	sshll.u32 s0, $0xA;
	s2 =	sadd.s32 s3, s2  }
0x8d: {  	s2 =	sadd.s32 s2, s17  }
0x8e: {  	[smem:$0x3FC2] =	sst s2  }
0x8f: {  	_ = 	snop  }
0x90: {  	s2 =	sld [smem:$0x3FD0];
	(tm) =	ssettm $0x1  }
0x91: {  	s18 =	sld [smem:$0x3FFB];
	_ =	sdelay $0x3  }
0x92: {  	_ =	strace s18  }
0x93: {  	s3 =	sld [smem:$0x3FFC];
	_ =	sdelay $0x3  }
0x94: {  	_ =	strace s3  }
0x95: {  	s3 =	sld [smem:$0x3FFD];
	_ =	sdelay $0x3  }
0x96: {  	_ =	strace s3  }
0x97: {  	_ =	strace $0x8FFFFFFF  }
0x98: {  	s19 =	sld [smem:$0x3FDB];
	_ =	sdelay $0x1  }
0x99: {  	s4 =	simm.s32 $_scs_section_size  }
0x9a: {  	s5 =	simm.s32 $_size__tile_overlayer_lowered;
	s6 =	simm.s32 $_tile_overlayer_lowered  }
0x9b: {  	s22 =	simm.s32 $0x1BFF;
	s21 =	sshll.u32 s6, $0x1;
	s3 =	sadd.s32 s4, s19  }
0x9c: {  	s7 =	simm.s32 $0x0;
	s20 =	sshll.u32 s5, $0x1;
	s5 =	sadd.s32 s21, s3  }
0x9d: {  	[timem:s7], [sflag:s22] =	dma.local [hbm:s5], s20  }
0x9e: {  	_ =	swait.ge [sflag:s22], s20  }
0x9f: {  	s4 =	ssub.s32 $0x0, s20;
	[sflag:s22] =	ssyncset.done $0x0  }
0xa0: {  	[sflag:s22] =	ssyncadd.s32 s4;
	_ =	sdelay $0x1  }
0xa1: {  	s23 =	simm.s32 $0x1B8B  }
0xa2: {  	_ =	swait.ge [sflag:s23], $0x1  }
0xa3: {  	[sflag:s23] =	ssyncset.done $0x0  }
0xa4: {  	s25 =	simm.s32 $0x1B8E;
	s24 =	sld [smem:$0x3FFE];
	[sflag:s23] =	ssyncadd.s32 $0xFFFFFFFF  }
0xa5: {  	s26 =	simm.s32 $execute0_lowered;
	[smem:$0x3FD2] =	sst s25  }
0xa6: {  	s5 =	sshll.u32 s26, $0x1;
	_ =	strace $0x80000049;
	[dreg:$0x1] =	wrdreg $0xFFFFFFFF  }
0xa7: {  	s28 =	simm.s32 $_size_execute0_lowered;
	s3 =	sadd.s32 s3, s5;
	[dreg:$0x0] =	wrdreg $0x0  }
0xa8: {  	s5 =	sshll.u32 s28, $0x1;
	[dreg:$0x2] =	wrdreg s3  }
0xa9: {  	[dreg:$0x3] =	wrdreg s5  }
0xaa: {  	[dreg:$0x4] =	wrdreg $0xC0  }
0xab: {  	_ =	task [dreg:s7], $0x5FFFF  }
0xac: {  	[dreg:$0x1] =	wrdreg $0xFFFFFFFF  }
0xad: {  	[dreg:$0x0] =	wrdreg $0x60  }
0xae: {  	[dreg:$0x2] =	wrdreg s2  }
0xaf: {  	[dreg:$0x3] =	wrdreg s24  }
0xb0: {  	[dreg:$0x4] =	wrdreg $0xA8000  }
0xb1: {  	[dreg:$0x5] =	wrdreg $0x9  }
0xb2: {  	_ =	task.clear_ibuf [dreg:s7], $0x6FFFF;
	_ =	strace $0x90000049  }
0xb3: {  	s29 =	simm.s32 $0x9;
	_ =	strace $0x8000004B  }
0xb4: {  	_ =	swait.ge [sflag:s29], $0x1  }
0xb5: {  	[sflag:s29] =	ssyncadd.s32 $0xFFFFFFFF  }
0xb6: {  	_ =	strace $0x9000004B  }
0xb7: {  	_ =	sfence  }
0xb8: {  	s30 =	sld [smem:$0x0];
	_ =	sdelay $0x2  }
0xb9: {  	s31 =	sshll.u32 s1, $0xD;
	s1 =	sshrl.u32 s1, $0x2  }
0xba: {  	s3 =	sand.u32 $0x4000, s31;
	s1 =	sadd.s32 s1, s30  }
0xbb: {  	s0 =	sor.u32 s3, s0;
	s1 =	sshll.u32 s1, $0x11  }
0xbc: {  	s0 =	sor.u32 s1, s0  }
0xbd: {  	s0 =	sadd.s32 $0x8F2B, s0  }
0xbe: {  	[sflag:s0] =	ssyncadd.remote.s32 $0x1  }
0xbf: {  	_ =	sfence.sel $0xFFFF  }
0xc0: {  	[dreg:$0x0] =	wrdreg $0xFFFFFFFF;
	(pc) =	sbr.abs _section_cstart, $3  }
0xc1: {  	[dreg:$0x1] =	wrdreg $0xFFFFFFFF  }
0xc2: {  	_ =	task.clear_ibuf [dreg:s7], $0x2FFFF;
	_ =	strace $0x9FFFFFFF  }
0xc3: {  	(tm) =	ssettm $0x7FFFFFFF  }
tec
execute0_lowered:
.L_overlay_start_1:
0x0: {  	(tag) =	ssettag $0x1  }
0x1: {  	s9 =	rddreg [dreg:$0x0]  }
0x2: {  	s5 =	rddreg [dreg:$0x1]  }
0x3: {  	s2 =	rddreg [dreg:$0x2]  }
0x4: {  	s0 =	rddreg [dreg:$0x3]  }
0x5: {  	s1 =	stileid.u32;
	s4 =	srdreg.scid;
	s3 =	simm.s32 $0x0  }
0x6: {  	s18 =	simm.s32 $0x2800;
	s19 =	simm.s32 $0x6800;
	s6 =	smul.u32 $0x14000, s1  }
0x7: {  	s20 =	simm.s32 $0x1;
	s21 =	simm.s32 $0x2;
	s23 =	smul.u32 $0x50000, s1  }
0x8: {  	s7 =	sand.u32 $0x1, s4;
	[smem:$0x7FF] =	sst s3;
	s13 =	smul.u32 $0x2800, s1  }
0x9: {  	s10 =	sadd.s32 $0x2200, s5;
	s4 =	sadd.s32 $0x7200, s5;
	s14 =	smul.u32 $0x5000, s1  }
0xa: {  	s30 =	sshll.u32 s1, $0x6;
	s8 =	smul.u32 $0x140000, s7;
	_ =	strace $0x8000004A  }
0xb: {  	s24 =	ssub.s32 $0x2, s7;
	s26 =	sshll.u32 s7, $0x7;
	s11 =	sshrl.u32 s6, $0x3  }
0xc: {  	s25 =	sshrl.u32 s24, $0x1;
	s28 =	sor.u32 s26, s14;
	s29 =	sadd.s32 $0x1400, s13  }
0xd: {  	s13 =	sshrl.u32 s13, $0x3;
	s6 =	sadd.s32 s6, s8;
	s22 =	sadd.s32 s11, s5  }
0xe: {  	s11 =	sshrl.u32 s23, $0x2;
	s15 =	ssub.s32 s24, s25;
	s14 =	sshrl.u32 s28, $0x3  }
0xf: {  	s17 =	sshll.u32 s29, $0x1;
	s31 =	sshrl.u32 s29, $0x3;
	s8 =	sadd.s32 s10, s13  }
0x10: {  	s23 =	simm.s32 $0x2700;
	s24 =	simm.s32 $0x2780;
	s25 =	simm.s32 $0x0  }
0x11: {  	s6 =	sshrl.u32 s6, $0x3;
	s16 =	sadd.s32 s11, s2;
	s7 =	sadd.s32 s9, s14  }
0x12: {  	s11 =	sor.u32 s26, s17;
	s10 =	sadd.s32 s10, s31;
	s14 =	simm.s32 $0x3  }
0x13: {  	s17 =	simm.s32 $0x1400;
	s12 =	sadd.s32 s6, s5;
	s5 =	sadd.s32 $0x55400, s22  }
0x14: {  	s6 =	sor.u32 $0x1C03, s30;
	s11 =	sshrl.u32 s11, $0x3;
	s13 =	sshrl.u32 s16, $0x3  }
0x15: {  	s16 =	simm.s32 $0x100;
	s22 =	simm.s32 $0x1380;
	s9 =	sadd.s32 s9, s11  }
0x16: {  	s11 =	sadd.s32 $0x7D400, s12;
	s12 =	smax.u32 s15, $0x1;
	s15 =	simm.s32 $0x80  }
.LBB2_1:
0x17: {  	[spmem:s13], [sflag:s6] =	dma.local [hbm:s5], $0x2800  }
0x18: {  	_ =	swait.ge [sflag:s14], $0x2800  }
0x19: {  	[sflag:s14] =	ssyncset.done $0x0  }
0x1a: {  	[sflag:s14] =	ssyncadd.s32 $0xFFFFD800  }
0x1b: {  	[tilespmem:s3], [sflag:$0x3] =	stream.strided.gather [hbm4b:s7+s15], $0x1400, s16, s15, $0x38;
	[tilespmem:$0x1E800] =	vst v63  }
0x1c: {  	_ =	swait.ge [sflag:s14], $0x1400  }
0x1d: {  	[sflag:s14] =	ssyncset.done $0x0  }
0x1e: {  	[sflag:s14] =	ssyncadd.s32 $0xFFFFEC00  }
0x1f: {  	[tilespmem:s17], [sflag:$0x3] =	stream.linear.gather [hbm4b:s8+s3], $0x1400, $0x38;
	[tilespmem:$0x1E800] =	vst v63  }
0x20: {  	_ =	swait.ge [sflag:s14], $0x1400  }
0x21: {  	[sflag:s14] =	ssyncset.done $0x0  }
0x22: {  	[sflag:s14] =	ssyncadd.s32 $0xFFFFEC00  }
0x23: {  	[bflag:$0x0] =	sbarrier.arrive $0xFFFF  }
0x24: {  	[tilespmem:s18], [sflag:$0x1] =	stream.indirect.gather [hbm4b:s4+s15], $0x80, s3, s15, $0xb8;
	[tilespmem:$0x1E800] =	vst v63  }
0x25: {  	s26 =	simm.s32 $0x80  }
0x26: {  	[tilespmem:s19], [sflag:$0x2] =	stream.indirect.gather [hbm4b:s4+s15], $0x80, s26, s15, $0xb8;
	[tilespmem:$0x1E800] =	vst v63  }
0x27: {  	_ =	swait.ge [sflag:s20], $0x4000  }
0x28: {  	[sflag:s20] =	ssyncset.done $0x0  }
0x29: {  	s29 =	simm.s32 $0x1400;
	[sflag:s20] =	ssyncadd.s32 $0xFFFFC000  }
0x2a: {  	[spmem:s2] =	stream.indirect.scatter.add.f32 [tilespmem:s18], [sflag:$0x3], $0x80, s29, s15, $0xb8;
	[tilespmem:$0x1E800] =	vst v63  }
0x2b: {  	_ =	swait.ge [sflag:s14], $0x4000  }
0x2c: {  	[sflag:s14] =	ssyncset.done $0x0  }
0x2d: {  	s30 =	simm.s32 $0x100;
	[sflag:s14] =	ssyncadd.s32 $0xFFFFC000  }
0x2e: {  	[tilespmem:s18], [sflag:$0x1] =	stream.indirect.gather [hbm4b:s4+s15], $0x80, s30, s15, $0xb8;
	[tilespmem:$0x1E800] =	vst v63  }
0x2f: {  	_ =	swait.ge [sflag:s21], $0x4000  }
0x30: {  	[sflag:s21] =	ssyncset.done $0x0  }
0x31: {  	s31 =	simm.s32 $0x1480;
	[sflag:s21] =	ssyncadd.s32 $0xFFFFC000  }
0x32: {  	[spmem:s2] =	stream.indirect.scatter.add.f32 [tilespmem:s19], [sflag:$0x3], $0x80, s31, s15, $0xb8;
	[tilespmem:$0x1E800] =	vst v63  }
0x33: {  	_ =	swait.ge [sflag:s14], $0x4000  }
0x34: {  	s28 =	simm.s32 $0x800;
	s26 =	simm.s32 $0x100;
	[sflag:s14] =	ssyncset.done $0x0  }
.LBB2_2:
0x35: {  	s29 =	sadd.s32 $0x80, s26  }
0x36: {  	[sflag:s14] =	ssyncadd.s32 $0xFFFFC000;
	s30 =	smov.u32 s28;
	s31 =	sadd.s32 $0x400, s28  }
0x37: {  	[tilespmem:s19], [sflag:$0x2] =	stream.indirect.gather [hbm4b:s4+s15], $0x80, s29, s15, $0xb8;
	[tilespmem:$0x1E800] =	vst v63  }
0x38: {  	p0 =	sne.s32 s28, $0x4800;
	_ =	swait.ge [sflag:s20], $0x4000  }
0x39: {  	[sflag:s20] =	ssyncset.done $0x0  }
0x3a: {  	s28 =	sadd.s32 $0x1400, s26;
	[sflag:s20] =	ssyncadd.s32 $0xFFFFC000  }
0x3b: {  	[spmem:s2] =	stream.indirect.scatter.add.f32 [tilespmem:s18], [sflag:$0x3], $0x80, s28, s15, $0xb8;
	[tilespmem:$0x1E800] =	vst v63  }
0x3c: {  	_ =	swait.ge [sflag:s14], $0x4000  }
0x3d: {  	[sflag:s14] =	ssyncset.done $0x0  }
0x3e: {  	s28 =	sadd.s32 $0x100, s26;
	[sflag:s14] =	ssyncadd.s32 $0xFFFFC000  }
0x3f: {  	[tilespmem:s18], [sflag:$0x1] =	stream.indirect.gather [hbm4b:s4+s15], $0x80, s28, s15, $0xb8;
	[tilespmem:$0x1E800] =	vst v63  }
0x40: {  	_ =	swait.ge [sflag:s21], $0x4000  }
.Ltmp0:
0x41: {  	[sflag:s21] =	ssyncset.done $0x0;
	(pc) =	sbr.rel @p0 .LBB2_2-.Ltmp0, $4  }
0x42: {  	s26 =	sadd.s32 $0x1480, s26;
	[sflag:s21] =	ssyncadd.s32 $0xFFFFC000  }
0x43: {  	[spmem:s2] =	stream.indirect.scatter.add.f32 [tilespmem:s19], [sflag:$0x3], $0x80, s26, s15, $0xb8;
	[tilespmem:$0x1E800] =	vst v63  }
0x44: {  	_ =	swait.ge [sflag:s14], $0x4000  }
0x45: {  	s28 =	smov.u32 s31;
	s26 =	sshra.s32 s30, $0x2;
	[sflag:s14] =	ssyncset.done $0x0  }
0x46: {  	s28 =	sadd.s32 $0x80, s26;
	[sflag:s14] =	ssyncadd.s32 $0xFFFFC000  }
0x47: {  	[tilespmem:s19], [sflag:$0x2] =	stream.indirect.gather [hbm4b:s4+s15], $0x80, s28, s15, $0xb8;
	[tilespmem:$0x1E800] =	vst v63  }
0x48: {  	_ =	swait.ge [sflag:s20], $0x4000  }
0x49: {  	[sflag:s20] =	ssyncset.done $0x0  }
0x4a: {  	s28 =	sadd.s32 $0x1400, s26;
	[sflag:s20] =	ssyncadd.s32 $0xFFFFC000  }
0x4b: {  	[spmem:s2] =	stream.indirect.scatter.add.f32 [tilespmem:s18], [sflag:$0x3], $0x80, s28, s15, $0xb8;
	[tilespmem:$0x1E800] =	vst v63  }
0x4c: {  	_ =	swait.ge [sflag:s14], $0x4000  }
0x4d: {  	[sflag:s14] =	ssyncset.done $0x0  }
0x4e: {  	s28 =	sadd.s32 $0x100, s26;
	[sflag:s14] =	ssyncadd.s32 $0xFFFFC000  }
0x4f: {  	[tilespmem:s18], [sflag:$0x1] =	stream.indirect.gather [hbm4b:s4+s15], $0x80, s28, s15, $0xb8;
	[tilespmem:$0x1E800] =	vst v63  }
0x50: {  	_ =	swait.ge [sflag:s21], $0x4000  }
0x51: {  	[sflag:s21] =	ssyncset.done $0x0  }
0x52: {  	s29 =	sadd.s32 $0x1480, s26;
	[sflag:s21] =	ssyncadd.s32 $0xFFFFC000  }
0x53: {  	[spmem:s2] =	stream.indirect.scatter.add.f32 [tilespmem:s19], [sflag:$0x3], $0x80, s29, s15, $0xb8;
	[tilespmem:$0x1E800] =	vst v63  }
0x54: {  	_ =	swait.ge [sflag:s14], $0x4000  }
0x55: {  	[sflag:s14] =	ssyncset.done $0x0  }
0x56: {  	[sflag:s14] =	ssyncadd.s32 $0xFFFFC000  }
0x57: {  	[tilespmem:s19], [sflag:$0x2] =	stream.indirect.gather [hbm4b:s4+s15], $0x80, s22, s15, $0xb8;
	[tilespmem:$0x1E800] =	vst v63  }
0x58: {  	_ =	swait.ge [sflag:s20], $0x4000  }
0x59: {  	[sflag:s20] =	ssyncset.done $0x0  }
0x5a: {  	[sflag:s20] =	ssyncadd.s32 $0xFFFFC000  }
0x5b: {  	[spmem:s2] =	stream.indirect.scatter.add.f32 [tilespmem:s18], [sflag:$0x3], $0x80, s23, s15, $0xb8;
	[tilespmem:$0x1E800] =	vst v63  }
0x5c: {  	_ =	swait.ge [sflag:s14], $0x4000  }
0x5d: {  	[sflag:s14] =	ssyncset.done $0x0  }
0x5e: {  	[sflag:s14] =	ssyncadd.s32 $0xFFFFC000  }
0x5f: {  	_ =	swait.ge [sflag:s21], $0x4000  }
0x60: {  	[sflag:s21] =	ssyncset.done $0x0  }
0x61: {  	[sflag:s21] =	ssyncadd.s32 $0xFFFFC000  }
0x62: {  	[spmem:s2] =	stream.indirect.scatter.add.f32 [tilespmem:s19], [sflag:$0x3], $0x80, s24, s15, $0xb8;
	[tilespmem:$0x1E800] =	vst v63  }
0x63: {  	_ =	swait.ge [sflag:s14], $0x4000  }
0x64: {  	[sflag:s14] =	ssyncset.done $0x0  }
0x65: {  	s30 =	simm.s32 $0x0;
	[sflag:s14] =	ssyncadd.s32 $0xFFFFC000  }
0x66: {  	[tilespmem:s30], [sflag:$0x3] =	stream.strided.gather [hbm4b:s9+s15], $0x1400, s16, s15, $0x38;
	[tilespmem:$0x1E800] =	vst v63  }
0x67: {  	_ =	swait.ge [sflag:s14], $0x1400  }
0x68: {  	[sflag:s14] =	ssyncset.done $0x0  }
0x69: {  	[sflag:s14] =	ssyncadd.s32 $0xFFFFEC00  }
0x6a: {  	[tilespmem:s17], [sflag:$0x3] =	stream.linear.gather [hbm4b:s10+s30], $0x1400, $0x38;
	[tilespmem:$0x1E800] =	vst v63  }
0x6b: {  	_ =	swait.ge [sflag:s14], $0x1400  }
0x6c: {  	[sflag:s14] =	ssyncset.done $0x0  }
0x6d: {  	[sflag:s14] =	ssyncadd.s32 $0xFFFFEC00  }
0x6e: {  	[tilespmem:s18], [sflag:$0x1] =	stream.indirect.gather [hbm4b:s4+s15], $0x80, s30, s15, $0xb8;
	[tilespmem:$0x1E800] =	vst v63  }
0x6f: {  	s31 =	simm.s32 $0x80  }
0x70: {  	[tilespmem:s19], [sflag:$0x2] =	stream.indirect.gather [hbm4b:s4+s15], $0x80, s31, s15, $0xb8;
	[tilespmem:$0x1E800] =	vst v63  }
0x71: {  	_ =	swait.ge [sflag:s20], $0x4000  }
0x72: {  	[sflag:s20] =	ssyncset.done $0x0  }
0x73: {  	s29 =	simm.s32 $0x1400;
	[sflag:s20] =	ssyncadd.s32 $0xFFFFC000  }
0x74: {  	[spmem:s2] =	stream.indirect.scatter.add.f32 [tilespmem:s18], [sflag:$0x3], $0x80, s29, s15, $0xb8;
	[tilespmem:$0x1E800] =	vst v63  }
0x75: {  	_ =	swait.ge [sflag:s14], $0x4000  }
0x76: {  	[sflag:s14] =	ssyncset.done $0x0  }
0x77: {  	s30 =	simm.s32 $0x100;
	[sflag:s14] =	ssyncadd.s32 $0xFFFFC000  }
0x78: {  	[tilespmem:s18], [sflag:$0x1] =	stream.indirect.gather [hbm4b:s4+s15], $0x80, s30, s15, $0xb8;
	[tilespmem:$0x1E800] =	vst v63  }
0x79: {  	_ =	swait.ge [sflag:s21], $0x4000  }
0x7a: {  	[sflag:s21] =	ssyncset.done $0x0  }
0x7b: {  	s31 =	simm.s32 $0x1480;
	[sflag:s21] =	ssyncadd.s32 $0xFFFFC000  }
0x7c: {  	[spmem:s2] =	stream.indirect.scatter.add.f32 [tilespmem:s19], [sflag:$0x3], $0x80, s31, s15, $0xb8;
	[tilespmem:$0x1E800] =	vst v63  }
0x7d: {  	_ =	swait.ge [sflag:s14], $0x4000  }
0x7e: {  	s26 =	simm.s32 $0x100;
	s28 =	simm.s32 $0x800;
	[sflag:s14] =	ssyncset.done $0x0  }
.LBB2_4:
0x7f: {  	s29 =	sadd.s32 $0x80, s26  }
0x80: {  	[sflag:s14] =	ssyncadd.s32 $0xFFFFC000;
	s30 =	smov.u32 s28;
	s31 =	sadd.s32 $0x400, s28  }
0x81: {  	[tilespmem:s19], [sflag:$0x2] =	stream.indirect.gather [hbm4b:s4+s15], $0x80, s29, s15, $0xb8;
	[tilespmem:$0x1E800] =	vst v63  }
0x82: {  	p0 =	sne.s32 s28, $0x4800;
	_ =	swait.ge [sflag:s20], $0x4000  }
0x83: {  	[sflag:s20] =	ssyncset.done $0x0  }
0x84: {  	s28 =	sadd.s32 $0x1400, s26;
	[sflag:s20] =	ssyncadd.s32 $0xFFFFC000  }
0x85: {  	[spmem:s2] =	stream.indirect.scatter.add.f32 [tilespmem:s18], [sflag:$0x3], $0x80, s28, s15, $0xb8;
	[tilespmem:$0x1E800] =	vst v63  }
0x86: {  	_ =	swait.ge [sflag:s14], $0x4000  }
0x87: {  	[sflag:s14] =	ssyncset.done $0x0  }
0x88: {  	s28 =	sadd.s32 $0x100, s26;
	[sflag:s14] =	ssyncadd.s32 $0xFFFFC000  }
0x89: {  	[tilespmem:s18], [sflag:$0x1] =	stream.indirect.gather [hbm4b:s4+s15], $0x80, s28, s15, $0xb8;
	[tilespmem:$0x1E800] =	vst v63  }
0x8a: {  	_ =	swait.ge [sflag:s21], $0x4000  }
.Ltmp1:
0x8b: {  	[sflag:s21] =	ssyncset.done $0x0;
	(pc) =	sbr.rel @p0 .LBB2_4-.Ltmp1, $4  }
0x8c: {  	s26 =	sadd.s32 $0x1480, s26;
	[sflag:s21] =	ssyncadd.s32 $0xFFFFC000  }
0x8d: {  	[spmem:s2] =	stream.indirect.scatter.add.f32 [tilespmem:s19], [sflag:$0x3], $0x80, s26, s15, $0xb8;
	[tilespmem:$0x1E800] =	vst v63  }
0x8e: {  	_ =	swait.ge [sflag:s14], $0x4000  }
0x8f: {  	s28 =	smov.u32 s31;
	s26 =	sshra.s32 s30, $0x2;
	[sflag:s14] =	ssyncset.done $0x0  }
0x90: {  	s28 =	sadd.s32 $0x80, s26;
	[sflag:s14] =	ssyncadd.s32 $0xFFFFC000  }
0x91: {  	[tilespmem:s19], [sflag:$0x2] =	stream.indirect.gather [hbm4b:s4+s15], $0x80, s28, s15, $0xb8;
	[tilespmem:$0x1E800] =	vst v63  }
0x92: {  	_ =	swait.ge [sflag:s20], $0x4000  }
0x93: {  	[sflag:s20] =	ssyncset.done $0x0  }
0x94: {  	s29 =	sadd.s32 $0x1400, s26;
	[sflag:s20] =	ssyncadd.s32 $0xFFFFC000  }
0x95: {  	[spmem:s2] =	stream.indirect.scatter.add.f32 [tilespmem:s18], [sflag:$0x3], $0x80, s29, s15, $0xb8;
	[tilespmem:$0x1E800] =	vst v63  }
0x96: {  	_ =	swait.ge [sflag:s14], $0x4000  }
0x97: {  	[sflag:s14] =	ssyncset.done $0x0  }
0x98: {  	s30 =	sadd.s32 $0x100, s26;
	[sflag:s14] =	ssyncadd.s32 $0xFFFFC000  }
0x99: {  	[tilespmem:s18], [sflag:$0x1] =	stream.indirect.gather [hbm4b:s4+s15], $0x80, s30, s15, $0xb8;
	[tilespmem:$0x1E800] =	vst v63  }
0x9a: {  	_ =	swait.ge [sflag:s21], $0x4000  }
0x9b: {  	[sflag:s21] =	ssyncset.done $0x0  }
0x9c: {  	s31 =	sadd.s32 $0x1480, s26;
	[sflag:s21] =	ssyncadd.s32 $0xFFFFC000  }
0x9d: {  	[spmem:s2] =	stream.indirect.scatter.add.f32 [tilespmem:s19], [sflag:$0x3], $0x80, s31, s15, $0xb8;
	[tilespmem:$0x1E800] =	vst v63  }
0x9e: {  	_ =	swait.ge [sflag:s14], $0x4000  }
0x9f: {  	[sflag:s14] =	ssyncset.done $0x0  }
0xa0: {  	[sflag:s14] =	ssyncadd.s32 $0xFFFFC000  }
0xa1: {  	[tilespmem:s19], [sflag:$0x2] =	stream.indirect.gather [hbm4b:s4+s15], $0x80, s22, s15, $0xb8;
	[tilespmem:$0x1E800] =	vst v63  }
0xa2: {  	_ =	swait.ge [sflag:s20], $0x4000  }
0xa3: {  	[sflag:s20] =	ssyncset.done $0x0  }
0xa4: {  	[sflag:s20] =	ssyncadd.s32 $0xFFFFC000  }
0xa5: {  	[spmem:s2] =	stream.indirect.scatter.add.f32 [tilespmem:s18], [sflag:$0x3], $0x80, s23, s15, $0xb8;
	[tilespmem:$0x1E800] =	vst v63  }
0xa6: {  	_ =	swait.ge [sflag:s14], $0x4000  }
0xa7: {  	[sflag:s14] =	ssyncset.done $0x0  }
0xa8: {  	[sflag:s14] =	ssyncadd.s32 $0xFFFFC000  }
0xa9: {  	_ =	swait.ge [sflag:s21], $0x4000  }
0xaa: {  	[sflag:s21] =	ssyncset.done $0x0  }
0xab: {  	[sflag:s21] =	ssyncadd.s32 $0xFFFFC000  }
0xac: {  	[spmem:s2] =	stream.indirect.scatter.add.f32 [tilespmem:s19], [sflag:$0x3], $0x80, s24, s15, $0xb8;
	[tilespmem:$0x1E800] =	vst v63  }
0xad: {  	_ =	swait.ge [sflag:s14], $0x4000  }
0xae: {  	s25 =	sadd.s32 $0x1, s25;
	[sflag:s14] =	ssyncset.done $0x0  }
0xaf: {  	p0 =	sne.s32 s25, s12;
	[sflag:s14] =	ssyncadd.s32 $0xFFFFC000  }
.Ltmp2:
0xb0: {  	[bflag:$0x0] =	sbarrier.arrive $0xFFFF;
	(pc) =	sbr.rel @p0 .LBB2_1-.Ltmp2, $4  }
0xb1: {  	[hbm:s11], [sflag:s6] =	dma.local [spmem:s13], $0x2800  }
0xb2: {  	_ =	swait.ge [sflag:s14], $0x2800  }
0xb3: {  	[sflag:s14] =	ssyncset.done $0x0  }
0xb4: {  	[sflag:s14] =	ssyncadd.s32 $0xFFFFD800  }
0xb5: {  	_ =	sfence.sel $0x180000  }
0xb6: {  	[bflag:$0x0] =	sbarrier.arrive $0xFFFF  }
0xb7: {  	p0 =	sne.s32 s1, $0x0;
	_ =	strace $0x9000004A  }
0xb8: {  	s0 =	sadd.s32 @!p0 $0x100000, s0;
	[bflag:$0x2] =	sbarrier.arrive $0xFFFF  }
0xb9: {  	[sflag:s0] =	ssyncadd.tile.s32 @!p0 $0x1;
	_ =	shalt  }
.Lfunc_end2:
_tile_overlayer_lowered:
.L_overlay_start_2:
0xba: {  	(tag) =	ssettag $0x2  }
0xbb: {  	s0 =	rddreg [dreg:$0x0];
	s2 =	stileid.u32  }
0xbc: {  	s1 =	rddreg [dreg:$0x1];
	p0 =	sne.s32 s2, $0x0  }
0xbd: {  	s3 =	rddreg [dreg:$0x2];
	[bflag:$0x3] =	sbarrier.arrive $0xFFFF;
	s2 =	simm.s32 @!p0 $0x1C03  }
0xbe: {  	[timem:s3], [sflag:s2] =	dma.local @!p0 [hbm:s0], s1  }
0xbf: {  	s0 =	simm.s32 @!p0 $0x3  }
0xc0: {  	_ =	swait.ge @!p0 [sflag:s0], s1  }
0xc1: {  	s1 =	ssub.s32 @!p0 $0x0, s1;
	[sflag:s0] =	ssyncset.done @!p0 $0x0  }
0xc2: {  	[sflag:s0] =	ssyncadd.s32 @!p0 s1  }
0xc3: {  	[bflag:$0x3] =	sbarrier.arrive $0xFFFF  }
0xc4: {  	_ =	shalt  }

// kernel: kernel.14.cloned.1.call-start
scs
__scs_entry_jumppad:
0x0: {  	(pc) =	sbr.rel $0x88, $3  }
0x1: {  	(tag) =	ssettag $0x0;
	lr =	simm.s32 $0x1  }
0x2: {  	[smem:$0x3F9B] =	sst lr;
	_ =	strace $0xD0000000  }
0x3: {  	_ = 	snop  }
0x4: {  	_ = 	snop  }
0x5: {  	_ = 	snop  }
0x6: {  	_ = 	snop  }
0x7: {  	_ = 	snop  }
__scs_overlays_trampoline_lowered:
0x8: {  	[smem:$0x3FAA] =	sst s0  }
0x9: {  	[smem:$0x3FAB] =	sst s1  }
0xa: {  	[smem:$0x3FAC] =	sst s2  }
0xb: {  	[smem:$0x3FAD] =	sst s3  }
0xc: {  	[smem:$0x3FAE] =	sst s4  }
0xd: {  	[smem:$0x3FAF] =	sst s5  }
0xe: {  	[smem:$0x3FB0] =	sst s6  }
0xf: {  	[smem:$0x3FB1] =	sst s7  }
0x10: {  	[smem:$0x3FB2] =	sst s8  }
0x11: {  	[smem:$0x3FB3] =	sst s9;
	s0 =	simm.s32 @!p0 $0x0  }
0x12: {  	s1 =	sld [smem:$0x3F99];
	s0 =	simm.s32 @p0 $0x1  }
0x13: {  	[smem:$0x3FB4] =	sst s0;
	s0 =	simm.s32 @!p1 $0x0  }
0x14: {  	s2 =	sld [smem:$0x3F98];
	s0 =	simm.s32 @p1 $0x1  }
0x15: {  	[smem:$0x3FB5] =	sst s0;
	s0 =	simm.s32 @!p2 $0x0  }
0x16: {  	s3 =	sld [smem:$0x3FDB];
	s0 =	simm.s32 @p2 $0x1  }
0x17: {  	s4 =	simm.s32 $0x1BF5;
	[smem:$0x3FB7] =	sst s0  }
0x18: {  	s0 =	sld [smem:$0x3F9A];
	_ =	swait.ge [sflag:s4], $0x0  }
0x19: {  	s7 =	sld [smem:$0x3F9B]  }
0x1a: {  	s8 =	sadd.s32 $0xFFFFE003, lr  }
0x1b: {  	s9 =	sadd.s32 $0xFFFFFEF7, lr;
	s5 =	simm.s32 $0xFFFFFFFF;
	p2 =	slt.u32 s8, $0xFFFFF086  }
0x1c: {  	p1 =	slt.u32 s9, $0xF7A;
	s5 =	simm.s32 @!p2 $0x0  }
0x1d: {  	s5 =	simm.s32 @p1 $0x1;
	p0 =	seq.s32 s7, s2  }
0x1e: {  	s7 =	smul.u32 @!p0 $0xF7A, s2;
	p2 =	seq.s32 @!p0 s5, $0x0  }
0x1f: {  	s9 =	smul.u32 $0xF7A, s1;
	s8 =	simm.s32 @!p0 $0x1BF5;
	p2 =	por !p2, p0  }
0x20: {  	[sflag:s8] =	ssyncset.s32 @!p0 $0xFFFFF086;
	s6 =	sadd.s32 @!p0 s3, s7;
	s7 =	simm.s32 @!p0 $0x108  }
0x21: {  	s3 =	sadd.s32 s3, s9;
	s6 =	sadd.s32 @!p0 $0x88, s6;
	s7 =	simm.s32 @p2 $0x1082  }
0x22: {  	[simem:s7], [sflag:s8] =	dma.local @!p0 [hbm:s6], $0xF7A  }
0x23: {  	s9 =	sor.u32 $0xD0000000, s2;
	s6 =	simm.s32 $0x108;
	_ =	swait.ge @!p0 [sflag:s8], $0x0  }
0x24: {  	s3 =	sadd.s32 $0x88, s3;
	s6 =	simm.s32 @!p1 $0x1082;
	[sflag:s4] =	ssyncset.s32 $0xFFFFF086  }
0x25: {  	[simem:s6], [sflag:s4] =	dma.local [hbm:s3], $0xF7A  }
0x26: {  	[smem:$0x3F9B] =	sst s1;
	(tag) =	ssettag s2;
	_ =	strace s9  }
0x27: {  	s1 =	sld [smem:$0x3FAB]  }
0x28: {  	s2 =	sld [smem:$0x3FAC]  }
0x29: {  	s4 =	sld [smem:$0x3FAE]  }
0x2a: {  	p0 =	seq.s32 s5, $0x0;
	s5 =	sld [smem:$0x3FAF]  }
0x2b: {  	s6 =	sld [smem:$0x3FB0]  }
0x2c: {  	s7 =	sld [smem:$0x3FB1]  }
0x2d: {  	s3 =	simm.s32 $0x108;
	s8 =	sld [smem:$0x3FB2]  }
0x2e: {  	s3 =	simm.s32 @!p0 $0x1082;
	s9 =	sld [smem:$0x3FB3]  }
0x2f: {  	lr =	sadd.s32 s0, s3;
	s0 =	sld [smem:$0x3FAA]  }
0x30: {  	s3 =	sld [smem:$0x3FAD]  }
0x31: {  	[smem:$0x3FB6] =	sst s10  }
0x32: {  	s10 =	sld [smem:$0x3FB4];
	_ =	sdelay $0x3  }
0x33: {  	p0 =	seq.s32 s10, $0x1;
	s10 =	sld [smem:$0x3FB6];
	_ =	sdelay $0x3  }
0x34: {  	[smem:$0x3FB6] =	sst s10  }
0x35: {  	s10 =	sld [smem:$0x3FB5];
	_ =	sdelay $0x3  }
0x36: {  	p1 =	seq.s32 s10, $0x1;
	s10 =	sld [smem:$0x3FB6];
	_ =	sdelay $0x3  }
0x37: {  	[smem:$0x3FB6] =	sst s10  }
0x38: {  	s10 =	sld [smem:$0x3FB7]  }
0x39: {  	_ = 	snop;
	(pc) =	sbr.ind lr, $3  }
0x3a: {  	_ = 	snop  }
0x3b: {  	_ = 	snop  }
0x3c: {  	p2 =	seq.s32 s10, $0x1;
	s10 =	sld [smem:$0x3FB6]  }
0x3d: {  	_ =	shalt  }
0x3e: {  	_ =	shalt  }
0x3f: {  	_ =	shalt  }
0x40: {  	_ =	shalt  }
0x41: {  	_ =	shalt  }
0x42: {  	_ =	shalt  }
0x43: {  	_ =	shalt  }
0x44: {  	_ =	shalt  }
0x45: {  	_ =	shalt  }
0x46: {  	_ =	shalt  }
0x47: {  	_ =	shalt  }
0x48: {  	_ =	shalt  }
0x49: {  	_ =	shalt  }
0x4a: {  	_ =	shalt  }
0x4b: {  	_ =	shalt  }
0x4c: {  	_ =	shalt  }
0x4d: {  	_ =	shalt  }
0x4e: {  	_ =	shalt  }
0x4f: {  	_ =	shalt  }
0x50: {  	_ =	shalt  }
0x51: {  	_ =	shalt  }
0x52: {  	_ =	shalt  }
0x53: {  	_ =	shalt  }
0x54: {  	_ =	shalt  }
0x55: {  	_ =	shalt  }
0x56: {  	_ =	shalt  }
0x57: {  	_ =	shalt  }
0x58: {  	_ =	shalt  }
0x59: {  	_ =	shalt  }
0x5a: {  	_ =	shalt  }
0x5b: {  	_ =	shalt  }
0x5c: {  	_ =	shalt  }
0x5d: {  	_ =	shalt  }
0x5e: {  	_ =	shalt  }
0x5f: {  	_ =	shalt  }
0x60: {  	_ =	shalt  }
0x61: {  	_ =	shalt  }
0x62: {  	_ =	shalt  }
0x63: {  	_ =	shalt  }
0x64: {  	_ =	shalt  }
0x65: {  	_ =	shalt  }
0x66: {  	_ =	shalt  }
0x67: {  	_ =	shalt  }
0x68: {  	_ =	shalt  }
0x69: {  	_ =	shalt  }
0x6a: {  	_ =	shalt  }
0x6b: {  	_ =	shalt  }
0x6c: {  	_ =	shalt  }
0x6d: {  	_ =	shalt  }
0x6e: {  	_ =	shalt  }
0x6f: {  	_ =	shalt  }
0x70: {  	_ =	shalt  }
0x71: {  	_ =	shalt  }
0x72: {  	_ =	shalt  }
0x73: {  	_ =	shalt  }
0x74: {  	_ =	shalt  }
0x75: {  	_ =	shalt  }
0x76: {  	_ =	shalt  }
0x77: {  	_ =	shalt  }
0x78: {  	_ =	shalt  }
0x79: {  	_ =	shalt  }
0x7a: {  	_ =	shalt  }
0x7b: {  	_ =	shalt  }
0x7c: {  	_ =	shalt  }
0x7d: {  	_ =	shalt  }
0x7e: {  	_ =	shalt  }
0x7f: {  	_ =	shalt  }
0x80: {  	_ =	shalt  }
0x81: {  	_ =	shalt  }
0x82: {  	_ =	shalt  }
0x83: {  	_ =	shalt  }
0x84: {  	_ =	shalt  }
0x85: {  	_ =	shalt  }
0x86: {  	_ =	shalt  }
0x87: {  	_ =	shalt  }
.Lfunc_end0:
.L_simem_size_0:
called_computation.2_lowered:
.L_overlay_start_0:
0x88: {  	s2 =	sld [smem:$0x3FD9]  }
0x89: {  	s3 =	sld [smem:$0x3FFE];
	_ =	sdelay $0x1  }
0x8a: {  	s1 =	srdreg.scid  }
0x8b: {  	s0 =	sand.u32 $0x1, s1  }
0x8c: {  	s17 =	sshll.u32 s0, $0xA;
	s2 =	sadd.s32 s3, s2  }
0x8d: {  	s2 =	sadd.s32 s2, s17  }
0x8e: {  	[smem:$0x3FC2] =	sst s2  }
0x8f: {  	_ = 	snop  }
0x90: {  	s2 =	sld [smem:$0x3FD0];
	(tm) =	ssettm $0x1  }
0x91: {  	s18 =	sld [smem:$0x3FFB];
	_ =	sdelay $0x3  }
0x92: {  	_ =	strace s18  }
0x93: {  	s3 =	sld [smem:$0x3FFC];
	_ =	sdelay $0x3  }
0x94: {  	_ =	strace s3  }
0x95: {  	s3 =	sld [smem:$0x3FFD];
	_ =	sdelay $0x3  }
0x96: {  	_ =	strace s3  }
0x97: {  	_ =	strace $0x8FFFFFFF  }
0x98: {  	s19 =	sld [smem:$0x3FDB];
	_ =	sdelay $0x1  }
0x99: {  	s4 =	simm.s32 $_scs_section_size  }
0x9a: {  	s5 =	simm.s32 $_size__tile_overlayer_lowered;
	s6 =	simm.s32 $_tile_overlayer_lowered  }
0x9b: {  	s22 =	simm.s32 $0x1BFF;
	s21 =	sshll.u32 s6, $0x1;
	s3 =	sadd.s32 s4, s19  }
0x9c: {  	s7 =	simm.s32 $0x0;
	s20 =	sshll.u32 s5, $0x1;
	s5 =	sadd.s32 s21, s3  }
0x9d: {  	[timem:s7], [sflag:s22] =	dma.local [hbm:s5], s20  }
0x9e: {  	_ =	swait.ge [sflag:s22], s20  }
0x9f: {  	s4 =	ssub.s32 $0x0, s20;
	[sflag:s22] =	ssyncset.done $0x0  }
0xa0: {  	[sflag:s22] =	ssyncadd.s32 s4;
	_ =	sdelay $0x1  }
0xa1: {  	s23 =	simm.s32 $0x1B8B  }
0xa2: {  	_ =	swait.ge [sflag:s23], $0x1  }
0xa3: {  	[sflag:s23] =	ssyncset.done $0x0  }
0xa4: {  	s25 =	simm.s32 $0x1B8E;
	s24 =	sld [smem:$0x3FFE];
	[sflag:s23] =	ssyncadd.s32 $0xFFFFFFFF  }
0xa5: {  	s26 =	simm.s32 $execute0_lowered;
	[smem:$0x3FD2] =	sst s25  }
0xa6: {  	s5 =	sshll.u32 s26, $0x1;
	_ =	strace $0x8000004C;
	[dreg:$0x1] =	wrdreg $0xFFFFFFFF  }
0xa7: {  	s28 =	simm.s32 $_size_execute0_lowered;
	s3 =	sadd.s32 s3, s5;
	[dreg:$0x0] =	wrdreg $0x0  }
0xa8: {  	s5 =	sshll.u32 s28, $0x1;
	[dreg:$0x2] =	wrdreg s3  }
0xa9: {  	[dreg:$0x3] =	wrdreg s5  }
0xaa: {  	[dreg:$0x4] =	wrdreg $0xC0  }
0xab: {  	_ =	task [dreg:s7], $0x5FFFF  }
0xac: {  	[dreg:$0x1] =	wrdreg $0xFFFFFFFF  }
0xad: {  	[dreg:$0x0] =	wrdreg $0x60  }
0xae: {  	[dreg:$0x2] =	wrdreg s2  }
0xaf: {  	[dreg:$0x3] =	wrdreg s24  }
0xb0: {  	[dreg:$0x4] =	wrdreg $0xA8000  }
0xb1: {  	[dreg:$0x5] =	wrdreg $0x9  }
0xb2: {  	_ =	task.clear_ibuf [dreg:s7], $0x6FFFF;
	_ =	strace $0x9000004C  }
0xb3: {  	s29 =	simm.s32 $0x9;
	_ =	strace $0x8000004E  }
0xb4: {  	_ =	swait.ge [sflag:s29], $0x1  }
0xb5: {  	[sflag:s29] =	ssyncadd.s32 $0xFFFFFFFF  }
0xb6: {  	_ =	strace $0x9000004E  }
0xb7: {  	_ =	sfence  }
0xb8: {  	s30 =	sld [smem:$0x0];
	_ =	sdelay $0x2  }
0xb9: {  	s31 =	sshll.u32 s1, $0xD;
	s1 =	sshrl.u32 s1, $0x2  }
0xba: {  	s3 =	sand.u32 $0x4000, s31;
	s1 =	sadd.s32 s1, s30  }
0xbb: {  	s0 =	sor.u32 s3, s0;
	s1 =	sshll.u32 s1, $0x11  }
0xbc: {  	s0 =	sor.u32 s1, s0  }
0xbd: {  	s0 =	sadd.s32 $0x8F2B, s0  }
0xbe: {  	[sflag:s0] =	ssyncadd.remote.s32 $0x1  }
0xbf: {  	_ =	sfence.sel $0xFFFF  }
0xc0: {  	[dreg:$0x0] =	wrdreg $0xFFFFFFFF;
	(pc) =	sbr.abs _section_cstart, $3  }
0xc1: {  	[dreg:$0x1] =	wrdreg $0xFFFFFFFF  }
0xc2: {  	_ =	task.clear_ibuf [dreg:s7], $0x2FFFF;
	_ =	strace $0x9FFFFFFF  }
0xc3: {  	(tm) =	ssettm $0x7FFFFFFF  }
tec
execute0_lowered:
.L_overlay_start_1:
0x0: {  	(tag) =	ssettag $0x1  }
0x1: {  	s7 =	rddreg [dreg:$0x0]  }
0x2: {  	s6 =	rddreg [dreg:$0x1]  }
0x3: {  	s0 =	srdreg.scid;
	s2 =	rddreg [dreg:$0x2]  }
0x4: {  	s3 =	simm.s32 $0x0;
	s15 =	simm.s32 $0x1400;
	s16 =	simm.s32 $0x2800  }
0x5: {  	s17 =	simm.s32 $0x6800;
	s18 =	simm.s32 $0x1;
	s19 =	simm.s32 $0x2  }
0x6: {  	s20 =	simm.s32 $0x1380;
	s5 =	sand.u32 $0x1, s0;
	s0 =	stileid.u32  }
0x7: {  	s21 =	simm.s32 $0x2700;
	s22 =	simm.s32 $0x2780;
	s9 =	smul.u32 $0x14000, s0  }
0x8: {  	s23 =	simm.s32 $0x0;
	[smem:$0x7FF] =	sst s3;
	s10 =	smul.u32 $0x140000, s5  }
0x9: {  	s1 =	sshll.u32 s5, $0x4;
	s5 =	ssub.s32 $0x2, s5;
	s28 =	smul.u32 $0x50000, s0  }
0xa: {  	s31 =	sshll.u32 s0, $0x6;
	s8 =	sor.u32 s0, s1;
	s1 =	rddreg [dreg:$0x3]  }
0xb: {  	_ =	strace $0x8000004D;
	s29 =	sshrl.u32 s5, $0x1;
	s4 =	smul.u32 $0x280, s8  }
0xc: {  	s12 =	sshrl.u32 s9, $0x3;
	s9 =	sadd.s32 s9, s10;
	s13 =	ssub.s32 s5, s29  }
0xd: {  	s30 =	sshrl.u32 s28, $0x2;
	s8 =	smul.u32 $0x500, s8;
	s9 =	sshrl.u32 s9, $0x3  }
0xe: {  	s12 =	sadd.s32 s12, s6;
	s14 =	sadd.s32 s30, s2;
	s10 =	smax.u32 s13, $0x1  }
0xf: {  	s13 =	simm.s32 $0x80;
	s11 =	sadd.s32 s4, s6;
	s4 =	sadd.s32 $0x7200, s6  }
0x10: {  	s9 =	sadd.s32 s9, s6;
	s5 =	sadd.s32 $0x55400, s12;
	s6 =	sor.u32 $0x1C03, s31  }
0x11: {  	s7 =	sadd.s32 s7, s8;
	s12 =	simm.s32 $0x3;
	s8 =	sadd.s32 $0x2200, s11  }
0x12: {  	s9 =	sadd.s32 $0x7D400, s9;
	s11 =	sshrl.u32 s14, $0x3;
	s14 =	simm.s32 $0x100  }
.LBB2_1:
0x13: {  	[spmem:s11], [sflag:s6] =	dma.local [hbm:s5], $0x2800  }
0x14: {  	_ =	swait.ge [sflag:s12], $0x2800  }
0x15: {  	[sflag:s12] =	ssyncset.done $0x0  }
0x16: {  	[sflag:s12] =	ssyncadd.s32 $0xFFFFD800  }
0x17: {  	[tilespmem:s3], [sflag:$0x3] =	stream.strided.gather [hbm4b:s7+s13], $0x1400, s14, s13, $0x38;
	[tilespmem:$0x1E800] =	vst v63  }
0x18: {  	_ =	swait.ge [sflag:s12], $0x1400  }
0x19: {  	[sflag:s12] =	ssyncset.done $0x0  }
0x1a: {  	[sflag:s12] =	ssyncadd.s32 $0xFFFFEC00  }
0x1b: {  	[tilespmem:s15], [sflag:$0x3] =	stream.linear.gather [hbm4b:s8+s3], $0x1400, $0x38;
	[tilespmem:$0x1E800] =	vst v63  }
0x1c: {  	_ =	swait.ge [sflag:s12], $0x1400  }
0x1d: {  	[sflag:s12] =	ssyncset.done $0x0  }
0x1e: {  	[sflag:s12] =	ssyncadd.s32 $0xFFFFEC00  }
0x1f: {  	[bflag:$0x0] =	sbarrier.arrive $0xFFFF  }
0x20: {  	[tilespmem:s16], [sflag:$0x1] =	stream.indirect.gather [hbm4b:s4+s13], $0x80, s3, s13, $0xb8;
	[tilespmem:$0x1E800] =	vst v63  }
0x21: {  	s24 =	simm.s32 $0x80  }
0x22: {  	[tilespmem:s17], [sflag:$0x2] =	stream.indirect.gather [hbm4b:s4+s13], $0x80, s24, s13, $0xb8;
	[tilespmem:$0x1E800] =	vst v63  }
0x23: {  	_ =	swait.ge [sflag:s18], $0x4000  }
0x24: {  	[sflag:s18] =	ssyncset.done $0x0  }
0x25: {  	s29 =	simm.s32 $0x1400;
	[sflag:s18] =	ssyncadd.s32 $0xFFFFC000  }
0x26: {  	[spmem:s2] =	stream.indirect.scatter.add.f32 [tilespmem:s16], [sflag:$0x3], $0x80, s29, s13, $0xb8;
	[tilespmem:$0x1E800] =	vst v63  }
0x27: {  	_ =	swait.ge [sflag:s12], $0x4000  }
0x28: {  	[sflag:s12] =	ssyncset.done $0x0  }
0x29: {  	s30 =	simm.s32 $0x100;
	[sflag:s12] =	ssyncadd.s32 $0xFFFFC000  }
0x2a: {  	[tilespmem:s16], [sflag:$0x1] =	stream.indirect.gather [hbm4b:s4+s13], $0x80, s30, s13, $0xb8;
	[tilespmem:$0x1E800] =	vst v63  }
0x2b: {  	_ =	swait.ge [sflag:s19], $0x4000  }
0x2c: {  	[sflag:s19] =	ssyncset.done $0x0  }
0x2d: {  	s31 =	simm.s32 $0x1480;
	[sflag:s19] =	ssyncadd.s32 $0xFFFFC000  }
0x2e: {  	[spmem:s2] =	stream.indirect.scatter.add.f32 [tilespmem:s17], [sflag:$0x3], $0x80, s31, s13, $0xb8;
	[tilespmem:$0x1E800] =	vst v63  }
0x2f: {  	_ =	swait.ge [sflag:s12], $0x4000  }
0x30: {  	s25 =	simm.s32 $0x800;
	s24 =	simm.s32 $0x100;
	[sflag:s12] =	ssyncset.done $0x0  }
.LBB2_2:
0x31: {  	s26 =	sadd.s32 $0x80, s24  }
0x32: {  	[sflag:s12] =	ssyncadd.s32 $0xFFFFC000;
	s28 =	smov.u32 s25;
	s29 =	sadd.s32 $0x400, s25  }
0x33: {  	[tilespmem:s17], [sflag:$0x2] =	stream.indirect.gather [hbm4b:s4+s13], $0x80, s26, s13, $0xb8;
	[tilespmem:$0x1E800] =	vst v63  }
0x34: {  	p0 =	sne.s32 s25, $0x4800;
	_ =	swait.ge [sflag:s18], $0x4000  }
0x35: {  	[sflag:s18] =	ssyncset.done $0x0  }
0x36: {  	s25 =	sadd.s32 $0x1400, s24;
	[sflag:s18] =	ssyncadd.s32 $0xFFFFC000  }
0x37: {  	[spmem:s2] =	stream.indirect.scatter.add.f32 [tilespmem:s16], [sflag:$0x3], $0x80, s25, s13, $0xb8;
	[tilespmem:$0x1E800] =	vst v63  }
0x38: {  	_ =	swait.ge [sflag:s12], $0x4000  }
0x39: {  	[sflag:s12] =	ssyncset.done $0x0  }
0x3a: {  	s25 =	sadd.s32 $0x100, s24;
	[sflag:s12] =	ssyncadd.s32 $0xFFFFC000  }
0x3b: {  	[tilespmem:s16], [sflag:$0x1] =	stream.indirect.gather [hbm4b:s4+s13], $0x80, s25, s13, $0xb8;
	[tilespmem:$0x1E800] =	vst v63  }
0x3c: {  	_ =	swait.ge [sflag:s19], $0x4000  }
.Ltmp0:
0x3d: {  	[sflag:s19] =	ssyncset.done $0x0;
	(pc) =	sbr.rel @p0 .LBB2_2-.Ltmp0, $4  }
0x3e: {  	s24 =	sadd.s32 $0x1480, s24;
	[sflag:s19] =	ssyncadd.s32 $0xFFFFC000  }
0x3f: {  	[spmem:s2] =	stream.indirect.scatter.add.f32 [tilespmem:s17], [sflag:$0x3], $0x80, s24, s13, $0xb8;
	[tilespmem:$0x1E800] =	vst v63  }
0x40: {  	_ =	swait.ge [sflag:s12], $0x4000  }
0x41: {  	s25 =	smov.u32 s29;
	s24 =	sshra.s32 s28, $0x2;
	[sflag:s12] =	ssyncset.done $0x0  }
0x42: {  	s25 =	sadd.s32 $0x80, s24;
	[sflag:s12] =	ssyncadd.s32 $0xFFFFC000  }
0x43: {  	[tilespmem:s17], [sflag:$0x2] =	stream.indirect.gather [hbm4b:s4+s13], $0x80, s25, s13, $0xb8;
	[tilespmem:$0x1E800] =	vst v63  }
0x44: {  	_ =	swait.ge [sflag:s18], $0x4000  }
0x45: {  	[sflag:s18] =	ssyncset.done $0x0  }
0x46: {  	s29 =	sadd.s32 $0x1400, s24;
	[sflag:s18] =	ssyncadd.s32 $0xFFFFC000  }
0x47: {  	[spmem:s2] =	stream.indirect.scatter.add.f32 [tilespmem:s16], [sflag:$0x3], $0x80, s29, s13, $0xb8;
	[tilespmem:$0x1E800] =	vst v63  }
0x48: {  	_ =	swait.ge [sflag:s12], $0x4000  }
0x49: {  	[sflag:s12] =	ssyncset.done $0x0  }
0x4a: {  	s30 =	sadd.s32 $0x100, s24;
	[sflag:s12] =	ssyncadd.s32 $0xFFFFC000  }
0x4b: {  	[tilespmem:s16], [sflag:$0x1] =	stream.indirect.gather [hbm4b:s4+s13], $0x80, s30, s13, $0xb8;
	[tilespmem:$0x1E800] =	vst v63  }
0x4c: {  	_ =	swait.ge [sflag:s19], $0x4000  }
0x4d: {  	[sflag:s19] =	ssyncset.done $0x0  }
0x4e: {  	s31 =	sadd.s32 $0x1480, s24;
	[sflag:s19] =	ssyncadd.s32 $0xFFFFC000  }
0x4f: {  	[spmem:s2] =	stream.indirect.scatter.add.f32 [tilespmem:s17], [sflag:$0x3], $0x80, s31, s13, $0xb8;
	[tilespmem:$0x1E800] =	vst v63  }
0x50: {  	_ =	swait.ge [sflag:s12], $0x4000  }
0x51: {  	[sflag:s12] =	ssyncset.done $0x0  }
0x52: {  	[sflag:s12] =	ssyncadd.s32 $0xFFFFC000  }
0x53: {  	[tilespmem:s17], [sflag:$0x2] =	stream.indirect.gather [hbm4b:s4+s13], $0x80, s20, s13, $0xb8;
	[tilespmem:$0x1E800] =	vst v63  }
0x54: {  	_ =	swait.ge [sflag:s18], $0x4000  }
0x55: {  	[sflag:s18] =	ssyncset.done $0x0  }
0x56: {  	[sflag:s18] =	ssyncadd.s32 $0xFFFFC000  }
0x57: {  	[spmem:s2] =	stream.indirect.scatter.add.f32 [tilespmem:s16], [sflag:$0x3], $0x80, s21, s13, $0xb8;
	[tilespmem:$0x1E800] =	vst v63  }
0x58: {  	_ =	swait.ge [sflag:s12], $0x4000  }
0x59: {  	[sflag:s12] =	ssyncset.done $0x0  }
0x5a: {  	[sflag:s12] =	ssyncadd.s32 $0xFFFFC000  }
0x5b: {  	_ =	swait.ge [sflag:s19], $0x4000  }
0x5c: {  	[sflag:s19] =	ssyncset.done $0x0  }
0x5d: {  	[sflag:s19] =	ssyncadd.s32 $0xFFFFC000  }
0x5e: {  	[spmem:s2] =	stream.indirect.scatter.add.f32 [tilespmem:s17], [sflag:$0x3], $0x80, s22, s13, $0xb8;
	[tilespmem:$0x1E800] =	vst v63  }
0x5f: {  	_ =	swait.ge [sflag:s12], $0x4000  }
0x60: {  	s23 =	sadd.s32 $0x1, s23;
	[sflag:s12] =	ssyncset.done $0x0  }
0x61: {  	p0 =	sne.s32 s23, s10;
	[sflag:s12] =	ssyncadd.s32 $0xFFFFC000  }
.Ltmp1:
0x62: {  	[bflag:$0x0] =	sbarrier.arrive $0xFFFF;
	(pc) =	sbr.rel @p0 .LBB2_1-.Ltmp1, $4  }
0x63: {  	[hbm:s9], [sflag:s6] =	dma.local [spmem:s11], $0x2800  }
0x64: {  	_ =	swait.ge [sflag:s12], $0x2800  }
0x65: {  	[sflag:s12] =	ssyncset.done $0x0  }
0x66: {  	[sflag:s12] =	ssyncadd.s32 $0xFFFFD800  }
0x67: {  	_ =	sfence.sel $0x180000  }
0x68: {  	[bflag:$0x0] =	sbarrier.arrive $0xFFFF  }
0x69: {  	p0 =	sne.s32 s0, $0x0;
	_ =	strace $0x9000004D  }
0x6a: {  	s0 =	sadd.s32 @!p0 $0x100000, s1;
	[bflag:$0x2] =	sbarrier.arrive $0xFFFF  }
0x6b: {  	[sflag:s0] =	ssyncadd.tile.s32 @!p0 $0x1;
	_ =	shalt  }
.Lfunc_end2:
_tile_overlayer_lowered:
.L_overlay_start_2:
0x6c: {  	(tag) =	ssettag $0x2  }
0x6d: {  	s0 =	rddreg [dreg:$0x0];
	s2 =	stileid.u32  }
0x6e: {  	s1 =	rddreg [dreg:$0x1];
	p0 =	sne.s32 s2, $0x0  }
0x6f: {  	s3 =	rddreg [dreg:$0x2];
	[bflag:$0x3] =	sbarrier.arrive $0xFFFF;
	s2 =	simm.s32 @!p0 $0x1C03  }
0x70: {  	[timem:s3], [sflag:s2] =	dma.local @!p0 [hbm:s0], s1  }
0x71: {  	s0 =	simm.s32 @!p0 $0x3  }
0x72: {  	_ =	swait.ge @!p0 [sflag:s0], s1  }
0x73: {  	s1 =	ssub.s32 @!p0 $0x0, s1;
	[sflag:s0] =	ssyncset.done @!p0 $0x0  }
0x74: {  	[sflag:s0] =	ssyncadd.s32 @!p0 s1  }
0x75: {  	[bflag:$0x3] =	sbarrier.arrive $0xFFFF  }
0x76: {  	_ =	shalt  }

// kernel: kernel.8.cloned.1.call-start
scs
__scs_entry_jumppad:
0x0: {  	(pc) =	sbr.rel $0x88, $3  }
0x1: {  	(tag) =	ssettag $0x0;
	lr =	simm.s32 $0x1  }
0x2: {  	[smem:$0x3F9B] =	sst lr;
	_ =	strace $0xD0000000  }
0x3: {  	_ = 	snop  }
0x4: {  	_ = 	snop  }
0x5: {  	_ = 	snop  }
0x6: {  	_ = 	snop  }
0x7: {  	_ = 	snop  }
__scs_overlays_trampoline_lowered:
0x8: {  	[smem:$0x3FAA] =	sst s0  }
0x9: {  	[smem:$0x3FAB] =	sst s1  }
0xa: {  	[smem:$0x3FAC] =	sst s2  }
0xb: {  	[smem:$0x3FAD] =	sst s3  }
0xc: {  	[smem:$0x3FAE] =	sst s4  }
0xd: {  	[smem:$0x3FAF] =	sst s5  }
0xe: {  	[smem:$0x3FB0] =	sst s6  }
0xf: {  	[smem:$0x3FB1] =	sst s7  }
0x10: {  	[smem:$0x3FB2] =	sst s8  }
0x11: {  	[smem:$0x3FB3] =	sst s9;
	s0 =	simm.s32 @!p0 $0x0  }
0x12: {  	s1 =	sld [smem:$0x3F99];
	s0 =	simm.s32 @p0 $0x1  }
0x13: {  	[smem:$0x3FB4] =	sst s0;
	s0 =	simm.s32 @!p1 $0x0  }
0x14: {  	s2 =	sld [smem:$0x3F98];
	s0 =	simm.s32 @p1 $0x1  }
0x15: {  	[smem:$0x3FB5] =	sst s0;
	s0 =	simm.s32 @!p2 $0x0  }
0x16: {  	s3 =	sld [smem:$0x3FDB];
	s0 =	simm.s32 @p2 $0x1  }
0x17: {  	s4 =	simm.s32 $0x1BF5;
	[smem:$0x3FB7] =	sst s0  }
0x18: {  	s0 =	sld [smem:$0x3F9A];
	_ =	swait.ge [sflag:s4], $0x0  }
0x19: {  	s7 =	sld [smem:$0x3F9B]  }
0x1a: {  	s8 =	sadd.s32 $0xFFFFE003, lr  }
0x1b: {  	s9 =	sadd.s32 $0xFFFFFEF7, lr;
	s5 =	simm.s32 $0xFFFFFFFF;
	p2 =	slt.u32 s8, $0xFFFFF086  }
0x1c: {  	p1 =	slt.u32 s9, $0xF7A;
	s5 =	simm.s32 @!p2 $0x0  }
0x1d: {  	s5 =	simm.s32 @p1 $0x1;
	p0 =	seq.s32 s7, s2  }
0x1e: {  	s7 =	smul.u32 @!p0 $0xF7A, s2;
	p2 =	seq.s32 @!p0 s5, $0x0  }
0x1f: {  	s9 =	smul.u32 $0xF7A, s1;
	s8 =	simm.s32 @!p0 $0x1BF5;
	p2 =	por !p2, p0  }
0x20: {  	[sflag:s8] =	ssyncset.s32 @!p0 $0xFFFFF086;
	s6 =	sadd.s32 @!p0 s3, s7;
	s7 =	simm.s32 @!p0 $0x108  }
0x21: {  	s3 =	sadd.s32 s3, s9;
	s6 =	sadd.s32 @!p0 $0x88, s6;
	s7 =	simm.s32 @p2 $0x1082  }
0x22: {  	[simem:s7], [sflag:s8] =	dma.local @!p0 [hbm:s6], $0xF7A  }
0x23: {  	s9 =	sor.u32 $0xD0000000, s2;
	s6 =	simm.s32 $0x108;
	_ =	swait.ge @!p0 [sflag:s8], $0x0  }
0x24: {  	s3 =	sadd.s32 $0x88, s3;
	s6 =	simm.s32 @!p1 $0x1082;
	[sflag:s4] =	ssyncset.s32 $0xFFFFF086  }
0x25: {  	[simem:s6], [sflag:s4] =	dma.local [hbm:s3], $0xF7A  }
0x26: {  	[smem:$0x3F9B] =	sst s1;
	(tag) =	ssettag s2;
	_ =	strace s9  }
0x27: {  	s1 =	sld [smem:$0x3FAB]  }
0x28: {  	s2 =	sld [smem:$0x3FAC]  }
0x29: {  	s4 =	sld [smem:$0x3FAE]  }
0x2a: {  	p0 =	seq.s32 s5, $0x0;
	s5 =	sld [smem:$0x3FAF]  }
0x2b: {  	s6 =	sld [smem:$0x3FB0]  }
0x2c: {  	s7 =	sld [smem:$0x3FB1]  }
0x2d: {  	s3 =	simm.s32 $0x108;
	s8 =	sld [smem:$0x3FB2]  }
0x2e: {  	s3 =	simm.s32 @!p0 $0x1082;
	s9 =	sld [smem:$0x3FB3]  }
0x2f: {  	lr =	sadd.s32 s0, s3;
	s0 =	sld [smem:$0x3FAA]  }
0x30: {  	s3 =	sld [smem:$0x3FAD]  }
0x31: {  	[smem:$0x3FB6] =	sst s10  }
0x32: {  	s10 =	sld [smem:$0x3FB4];
	_ =	sdelay $0x3  }
0x33: {  	p0 =	seq.s32 s10, $0x1;
	s10 =	sld [smem:$0x3FB6];
	_ =	sdelay $0x3  }
0x34: {  	[smem:$0x3FB6] =	sst s10  }
0x35: {  	s10 =	sld [smem:$0x3FB5];
	_ =	sdelay $0x3  }
0x36: {  	p1 =	seq.s32 s10, $0x1;
	s10 =	sld [smem:$0x3FB6];
	_ =	sdelay $0x3  }
0x37: {  	[smem:$0x3FB6] =	sst s10  }
0x38: {  	s10 =	sld [smem:$0x3FB7]  }
0x39: {  	_ = 	snop;
	(pc) =	sbr.ind lr, $3  }
0x3a: {  	_ = 	snop  }
0x3b: {  	_ = 	snop  }
0x3c: {  	p2 =	seq.s32 s10, $0x1;
	s10 =	sld [smem:$0x3FB6]  }
0x3d: {  	_ =	shalt  }
0x3e: {  	_ =	shalt  }
0x3f: {  	_ =	shalt  }
0x40: {  	_ =	shalt  }
0x41: {  	_ =	shalt  }
0x42: {  	_ =	shalt  }
0x43: {  	_ =	shalt  }
0x44: {  	_ =	shalt  }
0x45: {  	_ =	shalt  }
0x46: {  	_ =	shalt  }
0x47: {  	_ =	shalt  }
0x48: {  	_ =	shalt  }
0x49: {  	_ =	shalt  }
0x4a: {  	_ =	shalt  }
0x4b: {  	_ =	shalt  }
0x4c: {  	_ =	shalt  }
0x4d: {  	_ =	shalt  }
0x4e: {  	_ =	shalt  }
0x4f: {  	_ =	shalt  }
0x50: {  	_ =	shalt  }
0x51: {  	_ =	shalt  }
0x52: {  	_ =	shalt  }
0x53: {  	_ =	shalt  }
0x54: {  	_ =	shalt  }
0x55: {  	_ =	shalt  }
0x56: {  	_ =	shalt  }
0x57: {  	_ =	shalt  }
0x58: {  	_ =	shalt  }
0x59: {  	_ =	shalt  }
0x5a: {  	_ =	shalt  }
0x5b: {  	_ =	shalt  }
0x5c: {  	_ =	shalt  }
0x5d: {  	_ =	shalt  }
0x5e: {  	_ =	shalt  }
0x5f: {  	_ =	shalt  }
0x60: {  	_ =	shalt  }
0x61: {  	_ =	shalt  }
0x62: {  	_ =	shalt  }
0x63: {  	_ =	shalt  }
0x64: {  	_ =	shalt  }
0x65: {  	_ =	shalt  }
0x66: {  	_ =	shalt  }
0x67: {  	_ =	shalt  }
0x68: {  	_ =	shalt  }
0x69: {  	_ =	shalt  }
0x6a: {  	_ =	shalt  }
0x6b: {  	_ =	shalt  }
0x6c: {  	_ =	shalt  }
0x6d: {  	_ =	shalt  }
0x6e: {  	_ =	shalt  }
0x6f: {  	_ =	shalt  }
0x70: {  	_ =	shalt  }
0x71: {  	_ =	shalt  }
0x72: {  	_ =	shalt  }
0x73: {  	_ =	shalt  }
0x74: {  	_ =	shalt  }
0x75: {  	_ =	shalt  }
0x76: {  	_ =	shalt  }
0x77: {  	_ =	shalt  }
0x78: {  	_ =	shalt  }
0x79: {  	_ =	shalt  }
0x7a: {  	_ =	shalt  }
0x7b: {  	_ =	shalt  }
0x7c: {  	_ =	shalt  }
0x7d: {  	_ =	shalt  }
0x7e: {  	_ =	shalt  }
0x7f: {  	_ =	shalt  }
0x80: {  	_ =	shalt  }
0x81: {  	_ =	shalt  }
0x82: {  	_ =	shalt  }
0x83: {  	_ =	shalt  }
0x84: {  	_ =	shalt  }
0x85: {  	_ =	shalt  }
0x86: {  	_ =	shalt  }
0x87: {  	_ =	shalt  }
.Lfunc_end0:
.L_simem_size_0:
called_computation_lowered:
.L_overlay_start_0:
0x88: {  	s2 =	sld [smem:$0x3FD9]  }
0x89: {  	s3 =	sld [smem:$0x3FFE];
	_ =	sdelay $0x1  }
0x8a: {  	s1 =	srdreg.scid  }
0x8b: {  	s0 =	sand.u32 $0x1, s1  }
0x8c: {  	s16 =	sshll.u32 s0, $0xA;
	s2 =	sadd.s32 s3, s2  }
0x8d: {  	s2 =	sadd.s32 s2, s16  }
0x8e: {  	[smem:$0x3FC2] =	sst s2  }
0x8f: {  	_ = 	snop  }
0x90: {  	(tm) =	ssettm $0x1  }
0x91: {  	s17 =	sld [smem:$0x3FFB];
	_ =	sdelay $0x3  }
0x92: {  	_ =	strace s17  }
0x93: {  	s2 =	sld [smem:$0x3FFC];
	_ =	sdelay $0x3  }
0x94: {  	_ =	strace s2  }
0x95: {  	s2 =	sld [smem:$0x3FFD];
	_ =	sdelay $0x3  }
0x96: {  	_ =	strace s2  }
0x97: {  	_ =	strace $0x8FFFFFFF  }
0x98: {  	s18 =	sld [smem:$0x3FDB];
	_ =	sdelay $0x1  }
0x99: {  	s19 =	simm.s32 $_scs_section_size  }
0x9a: {  	s4 =	simm.s32 $_size__tile_overlayer_lowered;
	s5 =	simm.s32 $_tile_overlayer_lowered  }
0x9b: {  	s22 =	simm.s32 $0x1BFF;
	s21 =	sshll.u32 s5, $0x1;
	s2 =	sadd.s32 s19, s18  }
0x9c: {  	s6 =	simm.s32 $0x0;
	s20 =	sshll.u32 s4, $0x1;
	s4 =	sadd.s32 s21, s2  }
0x9d: {  	[timem:s6], [sflag:s22] =	dma.local [hbm:s4], s20  }
0x9e: {  	_ =	swait.ge [sflag:s22], s20  }
0x9f: {  	s3 =	ssub.s32 $0x0, s20;
	[sflag:s22] =	ssyncset.done $0x0  }
0xa0: {  	[sflag:s22] =	ssyncadd.s32 s3;
	_ =	sdelay $0x1  }
0xa1: {  	s23 =	simm.s32 $0x1B8B  }
0xa2: {  	_ =	swait.ge [sflag:s23], $0x1  }
0xa3: {  	[sflag:s23] =	ssyncset.done $0x0  }
0xa4: {  	s25 =	simm.s32 $0x1B8E;
	s24 =	sld [smem:$0x3FFE];
	[sflag:s23] =	ssyncadd.s32 $0xFFFFFFFF  }
0xa5: {  	s26 =	simm.s32 $execute0_lowered;
	[smem:$0x3FD2] =	sst s25  }
0xa6: {  	s4 =	sshll.u32 s26, $0x1;
	_ =	strace $0x80000046;
	[dreg:$0x1] =	wrdreg $0xFFFFFFFF  }
0xa7: {  	s28 =	simm.s32 $_size_execute0_lowered;
	s2 =	sadd.s32 s2, s4;
	[dreg:$0x0] =	wrdreg $0x0  }
0xa8: {  	s4 =	sshll.u32 s28, $0x1;
	[dreg:$0x2] =	wrdreg s2  }
0xa9: {  	[dreg:$0x3] =	wrdreg s4  }
0xaa: {  	[dreg:$0x4] =	wrdreg $0xC0  }
0xab: {  	_ =	task [dreg:s6], $0x5FFFF  }
0xac: {  	[dreg:$0x1] =	wrdreg $0xFFFFFFFF  }
0xad: {  	[dreg:$0x0] =	wrdreg $0x60  }
0xae: {  	[dreg:$0x2] =	wrdreg s24  }
0xaf: {  	[dreg:$0x3] =	wrdreg $0x14800  }
0xb0: {  	[dreg:$0x4] =	wrdreg $0x9  }
0xb1: {  	_ =	task.clear_ibuf [dreg:s6], $0x5FFFF;
	_ =	strace $0x90000046  }
0xb2: {  	s29 =	simm.s32 $0x9;
	_ =	strace $0x80000048  }
0xb3: {  	_ =	swait.ge [sflag:s29], $0x1  }
0xb4: {  	[sflag:s29] =	ssyncadd.s32 $0xFFFFFFFF  }
0xb5: {  	_ =	strace $0x90000048  }
0xb6: {  	_ =	sfence  }
0xb7: {  	s30 =	sld [smem:$0x0];
	_ =	sdelay $0x2  }
0xb8: {  	s31 =	sshll.u32 s1, $0xD;
	s1 =	sshrl.u32 s1, $0x2  }
0xb9: {  	s3 =	sand.u32 $0x4000, s31;
	s1 =	sadd.s32 s1, s30  }
0xba: {  	s0 =	sor.u32 s3, s0;
	s1 =	sshll.u32 s1, $0x11  }
0xbb: {  	s0 =	sor.u32 s1, s0  }
0xbc: {  	s0 =	sadd.s32 $0x8F2B, s0  }
0xbd: {  	[sflag:s0] =	ssyncadd.remote.s32 $0x1  }
0xbe: {  	_ =	sfence.sel $0xFFFF  }
0xbf: {  	[dreg:$0x0] =	wrdreg $0xFFFFFFFF;
	(pc) =	sbr.abs _section_cstart, $3  }
0xc0: {  	[dreg:$0x1] =	wrdreg $0xFFFFFFFF  }
0xc1: {  	_ =	task.clear_ibuf [dreg:s6], $0x2FFFF;
	_ =	strace $0x9FFFFFFF  }
0xc2: {  	(tm) =	ssettm $0x7FFFFFFF  }
0xc3: {  	_ =	shalt  }
tec
execute0_lowered:
.L_overlay_start_1:
0x0: {  	(tag) =	ssettag $0x1  }
0x1: {  	s0 =	srdreg.scid;
	s5 =	rddreg [dreg:$0x0]  }
0x2: {  	s2 =	rddreg [dreg:$0x1];
	s3 =	simm.s32 $0x0;
	s12 =	simm.s32 $0x1400  }
0x3: {  	s13 =	simm.s32 $0x20;
	s4 =	sand.u32 $0x1, s0;
	s0 =	stileid.u32  }
0x4: {  	s14 =	simm.s32 $0x10;
	s15 =	simm.s32 $0x0;
	s7 =	smul.u32 $0x500, s0  }
0x5: {  	[smem:$0x7FF] =	sst s3;
	s1 =	sshll.u32 s4, $0x4;
	s8 =	smul.u32 $0x280, s0  }
0x6: {  	s9 =	sshll.u32 s4, $0x7;
	s4 =	ssub.s32 $0x2, s4;
	s1 =	sor.u32 s0, s1  }
0x7: {  	s31 =	sshll.u32 s0, $0x6;
	s30 =	sshrl.u32 s4, $0x1;
	s6 =	smul.u32 $0x280, s1  }
0x8: {  	s1 =	rddreg [dreg:$0x2];
	_ =	strace $0x80000047;
	s7 =	sor.u32 s9, s7  }
0x9: {  	s29 =	sshrl.u32 s8, $0x3;
	s10 =	ssub.s32 s4, s30;
	s11 =	sadd.s32 s8, s2  }
0xa: {  	s7 =	sshrl.u32 s7, $0x3;
	s9 =	sadd.s32 s29, s5;
	s8 =	smax.u32 s10, $0x1  }
0xb: {  	s10 =	simm.s32 $0x1;
	s6 =	sadd.s32 s6, s5;
	s7 =	sadd.s32 s7, s5  }
0xc: {  	s4 =	sadd.s32 $0x7200, s9;
	s5 =	sor.u32 $0x1C01, s31;
	s9 =	sshrl.u32 s11, $0x3  }
0xd: {  	v0 =	vimm.f32 $1.000000000e+00;
	s11 =	simm.s32 $0x80;
	s6 =	sadd.s32 $0x2200, s6;
	s7 =	sadd.s32 $0x7800, s7  }
.LBB2_1:
0xe: {  	[tilespmem:$0x1400] =	vst v0  }
0xf: {  	[tilespmem:$0x1410] =	vst v0  }
0x10: {  	[tilespmem:$0x1420] =	vst v0  }
0x11: {  	[tilespmem:$0x1430] =	vst v0  }
0x12: {  	[tilespmem:$0x1440] =	vst v0  }
0x13: {  	[tilespmem:$0x1450] =	vst v0  }
0x14: {  	[tilespmem:$0x1460] =	vst v0  }
0x15: {  	[tilespmem:$0x1470] =	vst v0  }
0x16: {  	[spmem:s9], [sflag:s5] =	dma.local [hbm:s4], $0x50  }
0x17: {  	_ =	swait.ge [sflag:s10], $0x50  }
0x18: {  	[sflag:s10] =	ssyncset.done $0x0  }
0x19: {  	[sflag:s10] =	ssyncadd.s32 $0xFFFFFFB0  }
0x1a: {  	[tilespmem:s3], [sflag:$0x1] =	stream.linear.gather [hbm4b:s6+s3], $0x1400, $0x38;
	[tilespmem:$0x1700] =	vst v63  }
0x1b: {  	_ =	swait.ge [sflag:s10], $0x1400  }
0x1c: {  	[sflag:s10] =	ssyncset.done $0x0  }
0x1d: {  	[sflag:s10] =	ssyncadd.s32 $0xFFFFEC00  }
0x1e: {  	s16 =	simm.s32 $0x0;
	[bflag:$0x0] =	sbarrier.arrive $0xFFFF  }
0x1f: {  	[spmem:s2] =	stream.indirect.scatter.add.f32 [tilespmem:s12], [sflag:$0x1], $0x1, s16, s11, $0xb8;
	[tilespmem:$0x1700] =	vst v63  }
0x20: {  	_ =	swait.ge [sflag:s10], $0x80  }
0x21: {  	s16 =	simm.s32 $0x200;
	[sflag:s10] =	ssyncset.done $0x0  }
.LBB2_2:
0x22: {  	s17 =	sshra.s32 s16, $0x2;
	[sflag:s10] =	ssyncadd.s32 $0xFFFFFF80;
	p0 =	sne.s32 s16, $0x4E00  }
0x23: {  	[spmem:s2] =	stream.indirect.scatter.add.f32 [tilespmem:s12], [sflag:$0x1], $0x1, s17, s11, $0xb8;
	[tilespmem:$0x1700] =	vst v63  }
.Ltmp0:
0x24: {  	_ = 	snop;
	(pc) =	sbr.rel @p0 .LBB2_2-.Ltmp0, $4  }
0x25: {  	_ = 	snop  }
0x26: {  	s16 =	sadd.s32 $0x200, s16  }
0x27: {  	_ =	swait.ge [sflag:s10], $0x80  }
0x28: {  	[sflag:s10] =	ssyncset.done $0x0  }
0x29: {  	s15 =	sadd.s32 $0x1, s15  }
0x2a: {  	[sflag:s10] =	ssyncadd.s32 $0xFFFFFF80;
	p0 =	sne.s32 s15, s8  }
.Ltmp1:
0x2b: {  	[bflag:$0x0] =	sbarrier.arrive $0xFFFF;
	(pc) =	sbr.rel @p0 .LBB2_1-.Ltmp1, $4  }
0x2c: {  	[hbm:s7@s13], [sflag:s5] =	dma.strided [spmem:s9@s14], $0x50, s10, $0x10   }
0x2d: {  	_ =	swait.ge [sflag:s10], $0x50  }
0x2e: {  	[sflag:s10] =	ssyncset.done $0x0  }
0x2f: {  	[sflag:s10] =	ssyncadd.s32 $0xFFFFFFB0  }
0x30: {  	_ =	sfence.sel $0x180000  }
0x31: {  	[bflag:$0x0] =	sbarrier.arrive $0xFFFF  }
0x32: {  	p0 =	sne.s32 s0, $0x0;
	_ =	strace $0x90000047  }
0x33: {  	s0 =	sadd.s32 @!p0 $0x100000, s1;
	[bflag:$0x2] =	sbarrier.arrive $0xFFFF  }
0x34: {  	[sflag:s0] =	ssyncadd.tile.s32 @!p0 $0x1;
	_ =	shalt  }
.Lfunc_end2:
_tile_overlayer_lowered:
.L_overlay_start_2:
0x35: {  	(tag) =	ssettag $0x2  }
0x36: {  	s0 =	rddreg [dreg:$0x0];
	s2 =	stileid.u32  }
0x37: {  	s1 =	rddreg [dreg:$0x1];
	p0 =	sne.s32 s2, $0x0  }
0x38: {  	s3 =	rddreg [dreg:$0x2];
	[bflag:$0x3] =	sbarrier.arrive $0xFFFF;
	s2 =	simm.s32 @!p0 $0x1C01  }
0x39: {  	[timem:s3], [sflag:s2] =	dma.local @!p0 [hbm:s0], s1  }
0x3a: {  	s0 =	simm.s32 @!p0 $0x1  }
0x3b: {  	_ =	swait.ge @!p0 [sflag:s0], s1  }
0x3c: {  	s1 =	ssub.s32 @!p0 $0x0, s1;
	[sflag:s0] =	ssyncset.done @!p0 $0x0  }
0x3d: {  	[sflag:s0] =	ssyncadd.s32 @!p0 s1  }
0x3e: {  	[bflag:$0x3] =	sbarrier.arrive $0xFFFF  }
0x3f: {  	_ =	shalt  }

</sc_bundles>
